<compile_context>
chip_gen: v7x
topology: tpu7x:2x2x1
jax: 0.10.2.dev20260603
libtpu: 0.0.44.dev20260713+nightly
codegen_flags: <defaults>
</compile_context>

<pallas_src>
import functools

import jax
import jax.numpy as jnp
from jax import lax
from jax.experimental import pallas as pl
from jax.experimental.pallas import tpu as pltpu
from jax.experimental.pallas import tpu_sc as plsc

_N = 10000
_E = 320000
_ND = 128
_ED = 16
_H = 128

_info = plsc.get_sparse_core_info()
_NC = _info.num_cores
_NS = _info.num_subcores
_NW = _NC * _NS
_EPW = _E // _NW
_K = 80
_NB = _EPW // _K
_NPAD = 10240
_ZR = _NPAD // _NS

_mesh = plsc.VectorSubcoreMesh(core_axis_name="c", subcore_axis_name="s")


def _pre_body(x_ref, wa_ref, wb_ref, p_ref, q_ref):
    x = x_ref[...]
    p_ref[...] = jnp.dot(x, wa_ref[...], preferred_element_type=jnp.float32)
    q_ref[...] = jnp.dot(x, wb_ref[...], preferred_element_type=jnp.float32)


def _precompute(x, wa, wb):
    return pl.pallas_call(
        _pre_body,
        out_shape=(
            jax.ShapeDtypeStruct((_N, _ND), jnp.float32),
            jax.ShapeDtypeStruct((_N, _ND), jnp.float32),
        ),
    )(x, wa, wb)


@functools.partial(
    pl.kernel,
    out_type=(
        jax.ShapeDtypeStruct((_E, _ND), jnp.float32),
        jax.ShapeDtypeStruct((_E, _ND), jnp.float32),
    ),
    mesh=_mesh,
    scratch_types=[
        pltpu.VMEM((_K,), jnp.int32),
        pltpu.VMEM((_K,), jnp.int32),
        pltpu.VMEM((_K, _ND), jnp.float32),
        pltpu.VMEM((_K, _ND), jnp.float32),
        pltpu.SemaphoreType.DMA,
        pltpu.SemaphoreType.DMA,
        pltpu.SemaphoreType.DMA,
        pltpu.SemaphoreType.DMA,
    ],
)
def _sc_gather(p_hbm, q_hbm, src_hbm, dst_hbm, g1_hbm, g2_hbm,
               ia, ib, ra, rb, sem1, sem2, sem3, sem4):
    wid = lax.axis_index("s") * _NC + lax.axis_index("c")
    base = pl.multiple_of(wid * _EPW, 8)

    def body(b, carry):
        off = pl.multiple_of(base + b * _K, 8)
        pltpu.sync_copy(src_hbm.at[pl.ds(off, _K)], ia)
        pltpu.sync_copy(dst_hbm.at[pl.ds(off, _K)], ib)

        @pl.when(b > 0)
        def _():
            prev = pl.multiple_of(base + (b - 1) * _K, 8)
            pltpu.make_async_copy(ra, g1_hbm.at[pl.ds(prev, _K)], sem3).wait()
            pltpu.make_async_copy(rb, g2_hbm.at[pl.ds(prev, _K)], sem4).wait()

        c1 = pltpu.async_copy(p_hbm.at[ia], ra, sem1)
        c2 = pltpu.async_copy(q_hbm.at[ib], rb, sem2)
        c1.wait()
        c2.wait()
        pltpu.async_copy(ra, g1_hbm.at[pl.ds(off, _K)], sem3)
        pltpu.async_copy(rb, g2_hbm.at[pl.ds(off, _K)], sem4)
        return carry

    lax.fori_loop(0, _NB, body, 0)
    last = pl.multiple_of(base + (_NB - 1) * _K, 8)
    pltpu.make_async_copy(ra, g1_hbm.at[pl.ds(last, _K)], sem3).wait()
    pltpu.make_async_copy(rb, g2_hbm.at[pl.ds(last, _K)], sem4).wait()


def _edge_body(g1_ref, g2_ref, ea_ref, wc_ref, be1_ref, we2_ref, be2_ref,
               ge_ref, beln_ref, out_ref):
    ea = ea_ref[...]
    s = (g1_ref[...] + g2_ref[...] + be1_ref[...]
         + jnp.dot(ea, wc_ref[...], preferred_element_type=jnp.float32))
    h = jnp.maximum(s, 0.0)
    y = jnp.dot(h, we2_ref[...], preferred_element_type=jnp.float32) + be2_ref[...]
    mu = jnp.mean(y, axis=-1, keepdims=True)
    var = jnp.mean((y - mu) ** 2, axis=-1, keepdims=True)
    yn = (y - mu) * lax.rsqrt(var + 1e-5) * ge_ref[...] + beln_ref[...]
    out_ref[...] = ea + yn


def _edge_mlp(g1, g2, edge_attr, wc, be1, we2, be2, ge_ln, be_ln):
    blk = 4000
    grid = _E // blk
    full = lambda s: pl.BlockSpec(s, lambda i: (0, 0))
    return pl.pallas_call(
        _edge_body,
        grid=(grid,),
        in_specs=[
            pl.BlockSpec((blk, _ND), lambda i: (i, 0)),
            pl.BlockSpec((blk, _ND), lambda i: (i, 0)),
            pl.BlockSpec((blk, _ED), lambda i: (i, 0)),
            full((_ED, _H)),
            full((1, _H)),
            full((_H, _ED)),
            full((1, _ED)),
            full((1, _ED)),
            full((1, _ED)),
        ],
        out_specs=pl.BlockSpec((blk, _ED), lambda i: (i, 0)),
        out_shape=jax.ShapeDtypeStruct((_E, _ED), jnp.float32),
    )(g1, g2, edge_attr, wc, be1, we2, be2, ge_ln, be_ln)


@functools.partial(
    pl.kernel,
    out_type=jax.ShapeDtypeStruct((_NC, _NPAD, _ED), jnp.float32),
    mesh=_mesh,
    scratch_types=[
        pltpu.VMEM((_K,), jnp.int32),
        pltpu.VMEM((_K, _ED), jnp.float32),
        pltpu.VMEM_SHARED((_NPAD, _ED), jnp.float32),
    ],
    compiler_params=pltpu.CompilerParams(use_tc_tiling_on_sc=False),
)
def _sc_scatter(zin_hbm, dst_hbm, ea_hbm, out_hbm, idx, rows, acc):
    cid = lax.axis_index("c")
    sid = lax.axis_index("s")
    wid = sid * _NC + cid
    base = pl.multiple_of(wid * _EPW, 8)
    stripe = sid * _ZR

    pltpu.sync_copy(zin_hbm.at[pl.ds(stripe, _ZR)], acc.at[pl.ds(stripe, _ZR)])
    plsc.subcore_barrier()

    def body(b, carry):
        off = pl.multiple_of(base + b * _K, 8)
        pltpu.sync_copy(dst_hbm.at[pl.ds(off, _K)], idx)
        pltpu.sync_copy(ea_hbm.at[pl.ds(off, _K)], rows)
        pltpu.sync_copy(rows, acc.at[idx], add=True)
        return carry

    lax.fori_loop(0, _NB, body, 0)
    plsc.subcore_barrier()

    pltpu.sync_copy(acc.at[pl.ds(stripe, _ZR)], out_hbm.at[cid, pl.ds(stripe, _ZR)])


def _node_body(x_ref, pa_ref, wn1a_ref, wn1b_ref, bn1_ref, wn2_ref, bn2_ref,
               gn_ref, bnln_ref, out_ref):
    x = x_ref[...]
    aggr = (pa_ref[0] + pa_ref[1])[:_N]
    s = (jnp.dot(x, wn1a_ref[...], preferred_element_type=jnp.float32)
         + jnp.dot(aggr, wn1b_ref[...], preferred_element_type=jnp.float32)
         + bn1_ref[...])
    h = jnp.maximum(s, 0.0)
    y = jnp.dot(h, wn2_ref[...], preferred_element_type=jnp.float32) + bn2_ref[...]
    mu = jnp.mean(y, axis=-1, keepdims=True)
    var = jnp.mean((y - mu) ** 2, axis=-1, keepdims=True)
    yn = (y - mu) * lax.rsqrt(var + 1e-5) * gn_ref[...] + bnln_ref[...]
    out_ref[...] = x + yn


def _node_mlp(x, partials, wn1a, wn1b, bn1, wn2, bn2, gn_ln, bn_ln):
    return pl.pallas_call(
        _node_body,
        out_shape=jax.ShapeDtypeStruct((_N, _ND), jnp.float32),
    )(x, partials, wn1a, wn1b, bn1, wn2, bn2, gn_ln, bn_ln)


def kernel(x, edge_attr, edge_index, We1, be1, We2, be2, ge_ln, be_ln,
           Wn1, bn1, Wn2, bn2, gn_ln, bn_ln):
    src = edge_index[0]
    dst = edge_index[1]
    wa = We1[:_ND]
    wb = We1[_ND:2 * _ND]
    wc = We1[2 * _ND:]

    p, q = _precompute(x, wa, wb)
    g1, g2 = _sc_gather(p, q, src, dst)
    edge_attr_upd = _edge_mlp(
        g1, g2, edge_attr, wc,
        be1.reshape(1, _H), We2, be2.reshape(1, _ED),
        ge_ln.reshape(1, _ED), be_ln.reshape(1, _ED))
    zin = jnp.zeros((_NPAD, _ED), jnp.float32)
    partials = _sc_scatter(zin, dst, edge_attr_upd)
    x_upd = _node_mlp(
        x, partials, Wn1[:_ND], Wn1[_ND:], bn1.reshape(1, _H),
        Wn2, bn2.reshape(1, _ND), gn_ln.reshape(1, _ND), bn_ln.reshape(1, _ND))
    return (x_upd, edge_attr_upd)

# --- scband reference (transcript-rebuilt; emitter-appended) ---
"""Pipeline reference for scband-gmp-38345468018708 (READ-ONLY COPY).

The authoritative reference and input builder live on the scoring server;
editing this copy changes nothing except your own understanding.
"""

import jax, jax.numpy as jnp
import numpy as np

N = 10000
E = 320000
ND = 128
ED = 16
H = 128


def _layer_norm(x, gamma, beta, eps=1e-5):
    mean = jnp.mean(x, axis=-1, keepdims=True)
    var = jnp.mean((x - mean) ** 2, axis=-1, keepdims=True)
    return (x - mean) / jnp.sqrt(var + eps) * gamma + beta


def setup_inputs(seed: int = 0) -> dict:
    key = jax.random.key(seed)
    ks = jax.random.split(key, 16)
    x = jax.random.normal(ks[0], (N, ND), dtype=jnp.float32)
    edge_attr = jax.random.normal(ks[1], (E, ED), dtype=jnp.float32)
    edge_index = jax.random.randint(ks[2], (2, E), 0, N, dtype=jnp.int32)
    # edge_mlp params: Linear(2*ND+ED -> H), Linear(H -> ED), LayerNorm(ED)
    fan_e1 = 2 * ND + ED
    We1 = jax.random.normal(ks[3], (fan_e1, H), dtype=jnp.float32) / np.sqrt(fan_e1)
    be1 = jnp.zeros((H,), dtype=jnp.float32)
    We2 = jax.random.normal(ks[4], (H, ED), dtype=jnp.float32) / np.sqrt(H)
    be2 = jnp.zeros((ED,), dtype=jnp.float32)
    ge_ln = jnp.ones((ED,), dtype=jnp.float32)
    be_ln = jnp.zeros((ED,), dtype=jnp.float32)
    # node_mlp params: Linear(ND+ED -> H), Linear(H -> ND), LayerNorm(ND)
    fan_n1 = ND + ED
    Wn1 = jax.random.normal(ks[5], (fan_n1, H), dtype=jnp.float32) / np.sqrt(fan_n1)
    bn1 = jnp.zeros((H,), dtype=jnp.float32)
    Wn2 = jax.random.normal(ks[6], (H, ND), dtype=jnp.float32) / np.sqrt(H)
    bn2 = jnp.zeros((ND,), dtype=jnp.float32)
    gn_ln = jnp.ones((ND,), dtype=jnp.float32)
    bn_ln = jnp.zeros((ND,), dtype=jnp.float32)
    return {
        "x": x, "edge_attr": edge_attr, "edge_index": edge_index,
        "We1": We1, "be1": be1, "We2": We2, "be2": be2,
        "ge_ln": ge_ln, "be_ln": be_ln,
        "Wn1": Wn1, "bn1": bn1, "Wn2": Wn2, "bn2": bn2,
        "gn_ln": gn_ln, "bn_ln": bn_ln,
    }


def reference(x, edge_attr, edge_index, We1, be1, We2, be2, ge_ln, be_ln,
              Wn1, bn1, Wn2, bn2, gn_ln, bn_ln):
    src = edge_index[0]
    dst = edge_index[1]
    # edge update
    edge_input = jnp.concatenate([x[src], x[dst], edge_attr], axis=1)
    h = jax.nn.relu(edge_input @ We1 + be1)
    edge_new = _layer_norm(h @ We2 + be2, ge_ln, be_ln)
    edge_attr_upd = edge_attr + edge_new
    # scatter-add aggregation by dst
    edge_aggr = jnp.zeros((x.shape[0], edge_attr_upd.shape[1]), dtype=x.dtype).at[dst].add(edge_attr_upd)
    # node update
    node_input = jnp.concatenate([x, edge_aggr], axis=1)
    hn = jax.nn.relu(node_input @ Wn1 + bn1)
    x_new = _layer_norm(hn @ Wn2 + bn2, gn_ln, bn_ln)
    x_upd = x + x_new
    return (x_upd, edge_attr_upd)

if __name__ == "__main__":
    import jax
    _d = setup_inputs()
    print(jax.jit(kernel)(*tuple(_d.values())))

</pallas_src>

<mosaic_0001>
#map = affine_map<(d0, d1) -> (0, 0)>
#map1 = affine_map<(d0, d1) -> (0)>
#map2 = affine_map<(d0, d1) -> (0, 0, 0)>
module attributes {stable_mosaic.version = 14 : i64} {
  func.func @_sc_scatter(%arg0: i32, %arg1: i32, %arg2: memref<10240x16xf32, #tpu.memory_space<hbm>>, %arg3: memref<320000xi32, #tpu.memory_space<hbm>>, %arg4: memref<320000x16xf32, #tpu.memory_space<hbm>>, %arg5: memref<2x10240x16xf32, #tpu.memory_space<hbm>>, %arg6: memref<80xi32, #tpu.memory_space<vmem>>, %arg7: memref<80x16xf32, #tpu.memory_space<vmem>>, %arg8: memref<10240x16xf32, #tpu.memory_space<vmem_shared>>) attributes {dimension_semantics = [#tpu.dimension_semantics<core_parallel>, #tpu.dimension_semantics<subcore_parallel>], iteration_bounds = array<i64: 2, 16>, scalar_prefetch = 0 : i64, scratch_operands = 3 : i64, tpu.core_type = #tpu.core_type<sc_vector_subcore>, window_params = [{transform_indices = #map}, {transform_indices = #map1}, {transform_indices = #map}, {transform_indices = #map2}]} {
    %mul3A = arith.constant 2 : i32
    %mul3A_0 = arith.muli %arg1, %mul3A : i32
    %add3A = arith.addi %mul3A_0, %arg0 : i32
    %mul3A_1 = arith.constant 10000 : i32
    %mul3A_2 = arith.muli %add3A, %mul3A_1 : i32
    %multiple_of3A = tpu.assume_multiple %mul3A_2, 8 : i32
    %mul3A_3 = arith.constant 640 : i32
    %mul3A_4 = arith.muli %arg1, %mul3A_3 : i32
    "tpu.region"() ({
      %run_scoped3A = tpu.sem_alloc : memref<!tpu.dma_semaphore, #tpu.memory_space<semaphore_mem>>
      %dma_start3A = arith.constant 0 : i32
      %dma_start3A_11 = tpu.memref_slice %arg8[%mul3A_4, %dma_start3A] : memref<10240x16xf32, #tpu.memory_space<vmem_shared>> -> memref<640x16xf32, #tpu.memory_space<vmem_shared>>
      %dma_start3A_12 = arith.constant 0 : i32
      %dma_start3A_13 = tpu.memref_slice %arg2[%mul3A_4, %dma_start3A_12] : memref<10240x16xf32, #tpu.memory_space<hbm>> -> memref<640x16xf32, #tpu.memory_space<hbm>>
      tpu.enqueue_dma source(%dma_start3A_13 : memref<640x16xf32, #tpu.memory_space<hbm>>) target(%dma_start3A_11 : memref<640x16xf32, #tpu.memory_space<vmem_shared>>) target_semaphore(%run_scoped3A : memref<!tpu.dma_semaphore, #tpu.memory_space<semaphore_mem>>)
      %dma_wait3A = arith.constant 0 : i32
      %dma_wait3A_14 = tpu.memref_slice %arg8[%mul3A_4, %dma_wait3A] : memref<10240x16xf32, #tpu.memory_space<vmem_shared>> -> memref<640x16xf32, #tpu.memory_space<vmem_shared>>
      %dma_wait3A_15 = arith.constant 0 : i32
      %dma_wait3A_16 = tpu.memref_slice %arg2[%mul3A_4, %dma_wait3A_15] : memref<10240x16xf32, #tpu.memory_space<hbm>> -> memref<640x16xf32, #tpu.memory_space<hbm>>
      tpu.wait_dma2 semaphore(%run_scoped3A : memref<!tpu.dma_semaphore, #tpu.memory_space<semaphore_mem>>) src(%dma_wait3A_16 : memref<640x16xf32, #tpu.memory_space<hbm>>) dst(%dma_wait3A_14 : memref<640x16xf32, #tpu.memory_space<vmem_shared>>)
      tpu.yield
    }) : () -> ()
    %barrier3A = arith.constant 0 : index
    tpu.barrier barrier_id(%barrier3A)
    %scan3A = arith.constant 0 : i32
    %scan3A_5 = arith.constant 0 : i32
    %scan3A_6 = arith.constant 125 : i32
    %scan3A_7 = arith.addi %scan3A_5, %scan3A_6 : i32
    %scan3A_8 = arith.constant 1 : i32
    scf.for %scan3A_11 = %scan3A_5 to %scan3A_7 step %scan3A_8  : i32 {
      %mul3A_12 = arith.constant 80 : i32
      %mul3A_13 = arith.muli %scan3A_11, %mul3A_12 : i32
      %add3A_14 = arith.addi %multiple_of3A, %mul3A_13 : i32
      %multiple_of3A_15 = tpu.assume_multiple %add3A_14, 8 : i32
      "tpu.region"() ({
        %run_scoped3A = tpu.sem_alloc : memref<!tpu.dma_semaphore, #tpu.memory_space<semaphore_mem>>
        %dma_start3A = tpu.memref_slice %arg3[%multiple_of3A_15] : memref<320000xi32, #tpu.memory_space<hbm>> -> memref<80xi32, #tpu.memory_space<hbm>>
        %dma_start3A_16 = tpu.memref_slice %arg3[%multiple_of3A_15] : memref<320000xi32, #tpu.memory_space<hbm>> -> memref<80xi32, #tpu.memory_space<hbm>>
        tpu.enqueue_dma source(%dma_start3A_16 : memref<80xi32, #tpu.memory_space<hbm>>) target(%arg6 : memref<80xi32, #tpu.memory_space<vmem>>) target_semaphore(%run_scoped3A : memref<!tpu.dma_semaphore, #tpu.memory_space<semaphore_mem>>)
        %dma_wait3A = tpu.memref_slice %arg3[%multiple_of3A_15] : memref<320000xi32, #tpu.memory_space<hbm>> -> memref<80xi32, #tpu.memory_space<hbm>>
        %dma_wait3A_17 = tpu.memref_slice %arg3[%multiple_of3A_15] : memref<320000xi32, #tpu.memory_space<hbm>> -> memref<80xi32, #tpu.memory_space<hbm>>
        tpu.wait_dma2 semaphore(%run_scoped3A : memref<!tpu.dma_semaphore, #tpu.memory_space<semaphore_mem>>) src(%dma_wait3A_17 : memref<80xi32, #tpu.memory_space<hbm>>) dst(%arg6 : memref<80xi32, #tpu.memory_space<vmem>>)
        tpu.yield
      }) : () -> ()
      "tpu.region"() ({
        %run_scoped3A = tpu.sem_alloc : memref<!tpu.dma_semaphore, #tpu.memory_space<semaphore_mem>>
        %dma_start3A = arith.constant 0 : i32
        %dma_start3A_16 = tpu.memref_slice %arg4[%multiple_of3A_15, %dma_start3A] : memref<320000x16xf32, #tpu.memory_space<hbm>> -> memref<80x16xf32, #tpu.memory_space<hbm>>
        %dma_start3A_17 = arith.constant 0 : i32
        %dma_start3A_18 = tpu.memref_slice %arg4[%multiple_of3A_15, %dma_start3A_17] : memref<320000x16xf32, #tpu.memory_space<hbm>> -> memref<80x16xf32, #tpu.memory_space<hbm>>
        tpu.enqueue_dma source(%dma_start3A_18 : memref<80x16xf32, #tpu.memory_space<hbm>>) target(%arg7 : memref<80x16xf32, #tpu.memory_space<vmem>>) target_semaphore(%run_scoped3A : memref<!tpu.dma_semaphore, #tpu.memory_space<semaphore_mem>>)
        %dma_wait3A = arith.constant 0 : i32
        %dma_wait3A_19 = tpu.memref_slice %arg4[%multiple_of3A_15, %dma_wait3A] : memref<320000x16xf32, #tpu.memory_space<hbm>> -> memref<80x16xf32, #tpu.memory_space<hbm>>
        %dma_wait3A_20 = arith.constant 0 : i32
        %dma_wait3A_21 = tpu.memref_slice %arg4[%multiple_of3A_15, %dma_wait3A_20] : memref<320000x16xf32, #tpu.memory_space<hbm>> -> memref<80x16xf32, #tpu.memory_space<hbm>>
        tpu.wait_dma2 semaphore(%run_scoped3A : memref<!tpu.dma_semaphore, #tpu.memory_space<semaphore_mem>>) src(%dma_wait3A_21 : memref<80x16xf32, #tpu.memory_space<hbm>>) dst(%arg7 : memref<80x16xf32, #tpu.memory_space<vmem>>)
        tpu.yield
      }) : () -> ()
      "tpu.region"() ({
        %run_scoped3A = tpu.sem_alloc : memref<!tpu.dma_semaphore, #tpu.memory_space<semaphore_mem>>
        %dma_start3A = arith.constant 0 : i32
        %dma_start3A_16 = arith.constant 0 : i32
        %dma_start3A_17 = tpu.memref_slice %arg8[%dma_start3A, %dma_start3A_16] : memref<10240x16xf32, #tpu.memory_space<vmem_shared>> -> memref<10240x16xf32, #tpu.memory_space<vmem_shared>>
        tpu.enqueue_indirect_dma source(%arg7 : memref<80x16xf32, #tpu.memory_space<vmem>>) target(%dma_start3A_17 : memref<10240x16xf32, #tpu.memory_space<vmem_shared>>) offsets(%arg6 : memref<80xi32, #tpu.memory_space<vmem>>) semaphore(%run_scoped3A : memref<!tpu.dma_semaphore, #tpu.memory_space<semaphore_mem>>) {add = true}
        %dma_wait3A = arith.constant 0 : i32
        %dma_wait3A_18 = arith.constant 0 : i32
        %dma_wait3A_19 = tpu.memref_slice %arg8[%dma_wait3A, %dma_wait3A_18] : memref<10240x16xf32, #tpu.memory_space<vmem_shared>> -> memref<10240x16xf32, #tpu.memory_space<vmem_shared>>
        tpu.wait_indirect_dma semaphore(%run_scoped3A : memref<!tpu.dma_semaphore, #tpu.memory_space<semaphore_mem>>) src(%arg7 : memref<80x16xf32, #tpu.memory_space<vmem>>) dst(%dma_wait3A_19 : memref<10240x16xf32, #tpu.memory_space<vmem_shared>>)
        tpu.yield
      }) : () -> ()
    }
    %scan3A_9 = arith.constant 125 : i32
    %barrier3A_10 = arith.constant 0 : index
    tpu.barrier barrier_id(%barrier3A_10)
    "tpu.region"() ({
      %run_scoped3A = tpu.sem_alloc : memref<!tpu.dma_semaphore, #tpu.memory_space<semaphore_mem>>
      %dma_start3A = arith.constant 0 : i32
      %dma_start3A_11 = tpu.memref_slice %arg5[%arg0, %mul3A_4, %dma_start3A] : memref<2x10240x16xf32, #tpu.memory_space<hbm>> -> memref<1x640x16xf32, #tpu.memory_space<hbm>>
      %dma_start3A_12 = tpu.memref_squeeze %dma_start3A_11 : memref<1x640x16xf32, #tpu.memory_space<hbm>> -> memref<640x16xf32, #tpu.memory_space<hbm>>
      %dma_start3A_13 = arith.constant 0 : i32
      %dma_start3A_14 = tpu.memref_slice %arg8[%mul3A_4, %dma_start3A_13] : memref<10240x16xf32, #tpu.memory_space<vmem_shared>> -> memref<640x16xf32, #tpu.memory_space<vmem_shared>>
      tpu.enqueue_dma source(%dma_start3A_14 : memref<640x16xf32, #tpu.memory_space<vmem_shared>>) target(%dma_start3A_12 : memref<640x16xf32, #tpu.memory_space<hbm>>) target_semaphore(%run_scoped3A : memref<!tpu.dma_semaphore, #tpu.memory_space<semaphore_mem>>)
      %dma_wait3A = arith.constant 0 : i32
      %dma_wait3A_15 = tpu.memref_slice %arg5[%arg0, %mul3A_4, %dma_wait3A] : memref<2x10240x16xf32, #tpu.memory_space<hbm>> -> memref<1x640x16xf32, #tpu.memory_space<hbm>>
      %dma_wait3A_16 = tpu.memref_squeeze %dma_wait3A_15 : memref<1x640x16xf32, #tpu.memory_space<hbm>> -> memref<640x16xf32, #tpu.memory_space<hbm>>
      %dma_wait3A_17 = arith.constant 0 : i32
      %dma_wait3A_18 = tpu.memref_slice %arg8[%mul3A_4, %dma_wait3A_17] : memref<10240x16xf32, #tpu.memory_space<vmem_shared>> -> memref<640x16xf32, #tpu.memory_space<vmem_shared>>
      tpu.wait_dma2 semaphore(%run_scoped3A : memref<!tpu.dma_semaphore, #tpu.memory_space<semaphore_mem>>) src(%dma_wait3A_18 : memref<640x16xf32, #tpu.memory_space<vmem_shared>>) dst(%dma_wait3A_16 : memref<640x16xf32, #tpu.memory_space<hbm>>)
      tpu.yield
    }) : () -> ()
    return
  }
}

#map = affine_map<(d0, d1) -> (0, 0)>
#map1 = affine_map<(d0, d1) -> (0)>
module attributes {stable_mosaic.version = 14 : i64} {
  func.func @_sc_gather(%arg0: i32, %arg1: i32, %arg2: memref<10000x128xf32, #tpu.memory_space<hbm>>, %arg3: memref<10000x128xf32, #tpu.memory_space<hbm>>, %arg4: memref<320000xi32, #tpu.memory_space<hbm>>, %arg5: memref<320000xi32, #tpu.memory_space<hbm>>, %arg6: memref<320000x128xf32, #tpu.memory_space<hbm>>, %arg7: memref<320000x128xf32, #tpu.memory_space<hbm>>, %arg8: memref<80xi32, #tpu.memory_space<vmem>>, %arg9: memref<80xi32, #tpu.memory_space<vmem>>, %arg10: memref<80x128xf32, #tpu.memory_space<vmem>>, %arg11: memref<80x128xf32, #tpu.memory_space<vmem>>, %arg12: memref<!tpu.dma_semaphore, #tpu.memory_space<semaphore_mem>>, %arg13: memref<!tpu.dma_semaphore, #tpu.memory_space<semaphore_mem>>, %arg14: memref<!tpu.dma_semaphore, #tpu.memory_space<semaphore_mem>>, %arg15: memref<!tpu.dma_semaphore, #tpu.memory_space<semaphore_mem>>) attributes {dimension_semantics = [#tpu.dimension_semantics<core_parallel>, #tpu.dimension_semantics<subcore_parallel>], iteration_bounds = array<i64: 2, 16>, scalar_prefetch = 0 : i64, scratch_operands = 8 : i64, tpu.core_type = #tpu.core_type<sc_vector_subcore>, window_params = [{transform_indices = #map}, {transform_indices = #map}, {transform_indices = #map1}, {transform_indices = #map1}, {transform_indices = #map}, {transform_indices = #map}]} {
    %mul3A = arith.constant 2 : i32
    %mul3A_0 = arith.muli %arg1, %mul3A : i32
    %add3A = arith.addi %mul3A_0, %arg0 : i32
    %mul3A_1 = arith.constant 10000 : i32
    %mul3A_2 = arith.muli %add3A, %mul3A_1 : i32
    %multiple_of3A = tpu.assume_multiple %mul3A_2, 8 : i32
    %scan3A = arith.constant 0 : i32
    %scan3A_3 = arith.constant 0 : i32
    %scan3A_4 = arith.constant 125 : i32
    %scan3A_5 = arith.addi %scan3A_3, %scan3A_4 : i32
    %scan3A_6 = arith.constant 1 : i32
    scf.for %scan3A_18 = %scan3A_3 to %scan3A_5 step %scan3A_6  : i32 {
      %mul3A_19 = arith.constant 80 : i32
      %mul3A_20 = arith.muli %scan3A_18, %mul3A_19 : i32
      %add3A_21 = arith.addi %multiple_of3A, %mul3A_20 : i32
      %multiple_of3A_22 = tpu.assume_multiple %add3A_21, 8 : i32
      "tpu.region"() ({
        %run_scoped3A = tpu.sem_alloc : memref<!tpu.dma_semaphore, #tpu.memory_space<semaphore_mem>>
        %dma_start3A_44 = tpu.memref_slice %arg4[%multiple_of3A_22] : memref<320000xi32, #tpu.memory_space<hbm>> -> memref<80xi32, #tpu.memory_space<hbm>>
        %dma_start3A_45 = tpu.memref_slice %arg4[%multiple_of3A_22] : memref<320000xi32, #tpu.memory_space<hbm>> -> memref<80xi32, #tpu.memory_space<hbm>>
        tpu.enqueue_dma source(%dma_start3A_45 : memref<80xi32, #tpu.memory_space<hbm>>) target(%arg8 : memref<80xi32, #tpu.memory_space<vmem>>) target_semaphore(%run_scoped3A : memref<!tpu.dma_semaphore, #tpu.memory_space<semaphore_mem>>)
        %dma_wait3A_46 = tpu.memref_slice %arg4[%multiple_of3A_22] : memref<320000xi32, #tpu.memory_space<hbm>> -> memref<80xi32, #tpu.memory_space<hbm>>
        %dma_wait3A_47 = tpu.memref_slice %arg4[%multiple_of3A_22] : memref<320000xi32, #tpu.memory_space<hbm>> -> memref<80xi32, #tpu.memory_space<hbm>>
        tpu.wait_dma2 semaphore(%run_scoped3A : memref<!tpu.dma_semaphore, #tpu.memory_space<semaphore_mem>>) src(%dma_wait3A_47 : memref<80xi32, #tpu.memory_space<hbm>>) dst(%arg8 : memref<80xi32, #tpu.memory_space<vmem>>)
        tpu.yield
      }) : () -> ()
      "tpu.region"() ({
        %run_scoped3A = tpu.sem_alloc : memref<!tpu.dma_semaphore, #tpu.memory_space<semaphore_mem>>
        %dma_start3A_44 = tpu.memref_slice %arg5[%multiple_of3A_22] : memref<320000xi32, #tpu.memory_space<hbm>> -> memref<80xi32, #tpu.memory_space<hbm>>
        %dma_start3A_45 = tpu.memref_slice %arg5[%multiple_of3A_22] : memref<320000xi32, #tpu.memory_space<hbm>> -> memref<80xi32, #tpu.memory_space<hbm>>
        tpu.enqueue_dma source(%dma_start3A_45 : memref<80xi32, #tpu.memory_space<hbm>>) target(%arg9 : memref<80xi32, #tpu.memory_space<vmem>>) target_semaphore(%run_scoped3A : memref<!tpu.dma_semaphore, #tpu.memory_space<semaphore_mem>>)
        %dma_wait3A_46 = tpu.memref_slice %arg5[%multiple_of3A_22] : memref<320000xi32, #tpu.memory_space<hbm>> -> memref<80xi32, #tpu.memory_space<hbm>>
        %dma_wait3A_47 = tpu.memref_slice %arg5[%multiple_of3A_22] : memref<320000xi32, #tpu.memory_space<hbm>> -> memref<80xi32, #tpu.memory_space<hbm>>
        tpu.wait_dma2 semaphore(%run_scoped3A : memref<!tpu.dma_semaphore, #tpu.memory_space<semaphore_mem>>) src(%dma_wait3A_47 : memref<80xi32, #tpu.memory_space<hbm>>) dst(%arg9 : memref<80xi32, #tpu.memory_space<vmem>>)
        tpu.yield
      }) : () -> ()
      %gt3A = arith.constant 0 : i32
      %gt3A_23 = arith.cmpi sgt, %scan3A_18, %gt3A : i32
      %convert_element_type3A = arith.extui %gt3A_23 : i1 to i32
      %cond3A = arith.constant 0 : i32
      %cond3A_24 = arith.cmpi ne, %convert_element_type3A, %cond3A : i32
      scf.if %cond3A_24 {
        %sub3A = arith.constant 1 : i32
        %sub3A_44 = arith.subi %scan3A_18, %sub3A : i32
        %mul3A_45 = arith.constant 80 : i32
        %mul3A_46 = arith.muli %sub3A_44, %mul3A_45 : i32
        %add3A_47 = arith.addi %multiple_of3A, %mul3A_46 : i32
        %multiple_of3A_48 = tpu.assume_multiple %add3A_47, 8 : i32
        %dma_wait3A_49 = arith.constant 0 : i32
        %dma_wait3A_50 = tpu.memref_slice %arg6[%multiple_of3A_48, %dma_wait3A_49] : memref<320000x128xf32, #tpu.memory_space<hbm>> -> memref<80x128xf32, #tpu.memory_space<hbm>>
        %dma_wait3A_51 = arith.constant 0 : i32
        %dma_wait3A_52 = tpu.memref_slice %arg6[%multiple_of3A_48, %dma_wait3A_51] : memref<320000x128xf32, #tpu.memory_space<hbm>> -> memref<80x128xf32, #tpu.memory_space<hbm>>
        tpu.wait_dma2 semaphore(%arg14 : memref<!tpu.dma_semaphore, #tpu.memory_space<semaphore_mem>>) src(%arg10 : memref<80x128xf32, #tpu.memory_space<vmem>>) dst(%dma_wait3A_52 : memref<80x128xf32, #tpu.memory_space<hbm>>)
        %dma_wait3A_53 = arith.constant 0 : i32
        %dma_wait3A_54 = tpu.memref_slice %arg7[%multiple_of3A_48, %dma_wait3A_53] : memref<320000x128xf32, #tpu.memory_space<hbm>> -> memref<80x128xf32, #tpu.memory_space<hbm>>
        %dma_wait3A_55 = arith.constant 0 : i32
        %dma_wait3A_56 = tpu.memref_slice %arg7[%multiple_of3A_48, %dma_wait3A_55] : memref<320000x128xf32, #tpu.memory_space<hbm>> -> memref<80x128xf32, #tpu.memory_space<hbm>>
        tpu.wait_dma2 semaphore(%arg15 : memref<!tpu.dma_semaphore, #tpu.memory_space<semaphore_mem>>) src(%arg11 : memref<80x128xf32, #tpu.memory_space<vmem>>) dst(%dma_wait3A_56 : memref<80x128xf32, #tpu.memory_space<hbm>>)
      } else {
      }
      %dma_start3A = arith.constant 0 : i32
      %dma_start3A_25 = arith.constant 0 : i32
      %dma_start3A_26 = tpu.memref_slice %arg2[%dma_start3A, %dma_start3A_25] : memref<10000x128xf32, #tpu.memory_space<hbm>> -> memref<10000x128xf32, #tpu.memory_space<hbm>>
      tpu.enqueue_indirect_dma source(%dma_start3A_26 : memref<10000x128xf32, #tpu.memory_space<hbm>>) target(%arg10 : memref<80x128xf32, #tpu.memory_space<vmem>>) offsets(%arg8 : memref<80xi32, #tpu.memory_space<vmem>>) semaphore(%arg12 : memref<!tpu.dma_semaphore, #tpu.memory_space<semaphore_mem>>)
      %dma_start3A_27 = arith.constant 0 : i32
      %dma_start3A_28 = arith.constant 0 : i32
      %dma_start3A_29 = tpu.memref_slice %arg3[%dma_start3A_27, %dma_start3A_28] : memref<10000x128xf32, #tpu.memory_space<hbm>> -> memref<10000x128xf32, #tpu.memory_space<hbm>>
      tpu.enqueue_indirect_dma source(%dma_start3A_29 : memref<10000x128xf32, #tpu.memory_space<hbm>>) target(%arg11 : memref<80x128xf32, #tpu.memory_space<vmem>>) offsets(%arg9 : memref<80xi32, #tpu.memory_space<vmem>>) semaphore(%arg13 : memref<!tpu.dma_semaphore, #tpu.memory_space<semaphore_mem>>)
      %dma_wait3A_30 = arith.constant 0 : i32
      %dma_wait3A_31 = arith.constant 0 : i32
      %dma_wait3A_32 = tpu.memref_slice %arg2[%dma_wait3A_30, %dma_wait3A_31] : memref<10000x128xf32, #tpu.memory_space<hbm>> -> memref<10000x128xf32, #tpu.memory_space<hbm>>
      tpu.wait_indirect_dma semaphore(%arg12 : memref<!tpu.dma_semaphore, #tpu.memory_space<semaphore_mem>>) src(%dma_wait3A_32 : memref<10000x128xf32, #tpu.memory_space<hbm>>) dst(%arg10 : memref<80x128xf32, #tpu.memory_space<vmem>>)
      %dma_wait3A_33 = arith.constant 0 : i32
      %dma_wait3A_34 = arith.constant 0 : i32
      %dma_wait3A_35 = tpu.memref_slice %arg3[%dma_wait3A_33, %dma_wait3A_34] : memref<10000x128xf32, #tpu.memory_space<hbm>> -> memref<10000x128xf32, #tpu.memory_space<hbm>>
      tpu.wait_indirect_dma semaphore(%arg13 : memref<!tpu.dma_semaphore, #tpu.memory_space<semaphore_mem>>) src(%dma_wait3A_35 : memref<10000x128xf32, #tpu.memory_space<hbm>>) dst(%arg11 : memref<80x128xf32, #tpu.memory_space<vmem>>)
      %dma_start3A_36 = arith.constant 0 : i32
      %dma_start3A_37 = tpu.memref_slice %arg6[%multiple_of3A_22, %dma_start3A_36] : memref<320000x128xf32, #tpu.memory_space<hbm>> -> memref<80x128xf32, #tpu.memory_space<hbm>>
      %dma_start3A_38 = arith.constant 0 : i32
      %dma_start3A_39 = tpu.memref_slice %arg6[%multiple_of3A_22, %dma_start3A_38] : memref<320000x128xf32, #tpu.memory_space<hbm>> -> memref<80x128xf32, #tpu.memory_space<hbm>>
      tpu.enqueue_dma source(%arg10 : memref<80x128xf32, #tpu.memory_space<vmem>>) target(%dma_start3A_39 : memref<80x128xf32, #tpu.memory_space<hbm>>) target_semaphore(%arg14 : memref<!tpu.dma_semaphore, #tpu.memory_space<semaphore_mem>>)
      %dma_start3A_40 = arith.constant 0 : i32
      %dma_start3A_41 = tpu.memref_slice %arg7[%multiple_of3A_22, %dma_start3A_40] : memref<320000x128xf32, #tpu.memory_space<hbm>> -> memref<80x128xf32, #tpu.memory_space<hbm>>
      %dma_start3A_42 = arith.constant 0 : i32
      %dma_start3A_43 = tpu.memref_slice %arg7[%multiple_of3A_22, %dma_start3A_42] : memref<320000x128xf32, #tpu.memory_space<hbm>> -> memref<80x128xf32, #tpu.memory_space<hbm>>
      tpu.enqueue_dma source(%arg11 : memref<80x128xf32, #tpu.memory_space<vmem>>) target(%dma_start3A_43 : memref<80x128xf32, #tpu.memory_space<hbm>>) target_semaphore(%arg15 : memref<!tpu.dma_semaphore, #tpu.memory_space<semaphore_mem>>)
    }
    %scan3A_7 = arith.constant 125 : i32
    %add3A_8 = arith.constant 9920 : i32
    %add3A_9 = arith.addi %multiple_of3A, %add3A_8 : i32
    %multiple_of3A_10 = tpu.assume_multiple %add3A_9, 8 : i32
    %dma_wait3A = arith.constant 0 : i32
    %dma_wait3A_11 = tpu.memref_slice %arg6[%multiple_of3A_10, %dma_wait3A] : memref<320000x128xf32, #tpu.memory_space<hbm>> -> memref<80x128xf32, #tpu.memory_space<hbm>>
    %dma_wait3A_12 = arith.constant 0 : i32
    %dma_wait3A_13 = tpu.memref_slice %arg6[%multiple_of3A_10, %dma_wait3A_12] : memref<320000x128xf32, #tpu.memory_space<hbm>> -> memref<80x128xf32, #tpu.memory_space<hbm>>
    tpu.wait_dma2 semaphore(%arg14 : memref<!tpu.dma_semaphore, #tpu.memory_space<semaphore_mem>>) src(%arg10 : memref<80x128xf32, #tpu.memory_space<vmem>>) dst(%dma_wait3A_13 : memref<80x128xf32, #tpu.memory_space<hbm>>)
    %dma_wait3A_14 = arith.constant 0 : i32
    %dma_wait3A_15 = tpu.memref_slice %arg7[%multiple_of3A_10, %dma_wait3A_14] : memref<320000x128xf32, #tpu.memory_space<hbm>> -> memref<80x128xf32, #tpu.memory_space<hbm>>
    %dma_wait3A_16 = arith.constant 0 : i32
    %dma_wait3A_17 = tpu.memref_slice %arg7[%multiple_of3A_10, %dma_wait3A_16] : memref<320000x128xf32, #tpu.memory_space<hbm>> -> memref<80x128xf32, #tpu.memory_space<hbm>>
    tpu.wait_dma2 semaphore(%arg15 : memref<!tpu.dma_semaphore, #tpu.memory_space<semaphore_mem>>) src(%arg11 : memref<80x128xf32, #tpu.memory_space<vmem>>) dst(%dma_wait3A_17 : memref<80x128xf32, #tpu.memory_space<hbm>>)
    return
  }
}

module attributes {stable_mosaic.version = 14 : i64} {
  func.func @_pre_body(%arg0: memref<10000x128xf32, #tpu.memory_space<vmem>>, %arg1: memref<128x128xf32, #tpu.memory_space<vmem>>, %arg2: memref<128x128xf32, #tpu.memory_space<vmem>>, %arg3: memref<10000x128xf32, #tpu.memory_space<vmem>>, %arg4: memref<10000x128xf32, #tpu.memory_space<vmem>>) attributes {dimension_semantics = [], scalar_prefetch = 0 : i64, scratch_operands = 0 : i64, tpu.core_type = #tpu.core_type<tc>} {
    %get3A = arith.constant 0 : index
    %get3A_0 = arith.constant 0 : index
    %get3A_1 = vector.load %arg0[%get3A, %get3A_0] : memref<10000x128xf32, #tpu.memory_space<vmem>>, vector<10000x128xf32>
    %get3A_2 = arith.constant 0 : index
    %get3A_3 = arith.constant 0 : index
    %get3A_4 = vector.load %arg1[%get3A_2, %get3A_3] : memref<128x128xf32, #tpu.memory_space<vmem>>, vector<128x128xf32>
    %dot_general3A = arith.constant dense<0.000000e+00> : vector<10000x128xf32>
    %dot_general3A_5 = tpu.matmul %get3A_1, %get3A_4, %dot_general3A {dimension_numbers = #tpu.dot_dimension_numbers<[1], [0], [0], [1], [0, 0, 1, 1], [], []>, transpose_lhs_hint = false} : vector<10000x128xf32>, vector<128x128xf32>, vector<10000x128xf32> -> vector<10000x128xf32>
    %swap3A = arith.constant 0 : index
    %swap3A_6 = arith.constant 0 : index
    %swap3A_7 = vector.load %arg3[%swap3A, %swap3A_6] : memref<10000x128xf32, #tpu.memory_space<vmem>>, vector<10000x128xf32>
    tpu.vector_store %arg3[%swap3A, %swap3A_6], %dot_general3A_5 {strides = array<i32>} : memref<10000x128xf32, #tpu.memory_space<vmem>>, vector<10000x128xf32>,
    %get3A_8 = arith.constant 0 : index
    %get3A_9 = arith.constant 0 : index
    %get3A_10 = vector.load %arg2[%get3A_8, %get3A_9] : memref<128x128xf32, #tpu.memory_space<vmem>>, vector<128x128xf32>
    %dot_general3A_11 = arith.constant dense<0.000000e+00> : vector<10000x128xf32>
    %dot_general3A_12 = tpu.matmul %get3A_1, %get3A_10, %dot_general3A_11 {dimension_numbers = #tpu.dot_dimension_numbers<[1], [0], [0], [1], [0, 0, 1, 1], [], []>, transpose_lhs_hint = false} : vector<10000x128xf32>, vector<128x128xf32>, vector<10000x128xf32> -> vector<10000x128xf32>
    %swap3A_13 = arith.constant 0 : index
    %swap3A_14 = arith.constant 0 : index
    %swap3A_15 = vector.load %arg4[%swap3A_13, %swap3A_14] : memref<10000x128xf32, #tpu.memory_space<vmem>>, vector<10000x128xf32>
    tpu.vector_store %arg4[%swap3A_13, %swap3A_14], %dot_general3A_12 {strides = array<i32>} : memref<10000x128xf32, #tpu.memory_space<vmem>>, vector<10000x128xf32>,
    return
  }
}

module attributes {stable_mosaic.version = 14 : i64} {
  func.func @_edge_body(%arg0: i32, %arg1: memref<4000x128xf32, #tpu.memory_space<vmem>>, %arg2: memref<4000x128xf32, #tpu.memory_space<vmem>>, %arg3: memref<4000x16xf32, #tpu.memory_space<vmem>>, %arg4: memref<16x128xf32, #tpu.memory_space<vmem>>, %arg5: memref<1x128xf32, #tpu.memory_space<vmem>>, %arg6: memref<128x16xf32, #tpu.memory_space<vmem>>, %arg7: memref<1x16xf32, #tpu.memory_space<vmem>>, %arg8: memref<1x16xf32, #tpu.memory_space<vmem>>, %arg9: memref<1x16xf32, #tpu.memory_space<vmem>>, %arg10: memref<4000x16xf32, #tpu.memory_space<vmem>>) attributes {dimension_semantics = [#tpu.dimension_semantics<arbitrary>], iteration_bounds = array<i64: 80>, scalar_prefetch = 0 : i64, scratch_operands = 0 : i64, tpu.core_type = #tpu.core_type<tc>, window_params = [{transform_indices = @transform_0, window_bounds = array<i64: 4000, 128>}, {transform_indices = @transform_1, window_bounds = array<i64: 4000, 128>}, {transform_indices = @transform_2, window_bounds = array<i64: 4000, 16>}, {pipeline_mode = #tpu.pipeline_mode<synchronous>, transform_indices = @transform_3, window_bounds = array<i64: 16, 128>}, {pipeline_mode = #tpu.pipeline_mode<synchronous>, transform_indices = @transform_4, window_bounds = array<i64: 1, 128>}, {pipeline_mode = #tpu.pipeline_mode<synchronous>, transform_indices = @transform_5, window_bounds = array<i64: 128, 16>}, {pipeline_mode = #tpu.pipeline_mode<synchronous>, transform_indices = @transform_6, window_bounds = array<i64: 1, 16>}, {pipeline_mode = #tpu.pipeline_mode<synchronous>, transform_indices = @transform_7, window_bounds = array<i64: 1, 16>}, {pipeline_mode = #tpu.pipeline_mode<synchronous>, transform_indices = @transform_8, window_bounds = array<i64: 1, 16>}, {transform_indices = @transform_9, window_bounds = array<i64: 4000, 16>}]} {
    %get3A = arith.constant 0 : index
    %get3A_0 = arith.constant 0 : index
    %get3A_1 = vector.load %arg3[%get3A, %get3A_0] : memref<4000x16xf32, #tpu.memory_space<vmem>>, vector<4000x16xf32>
    %get3A_2 = arith.constant 0 : index
    %get3A_3 = arith.constant 0 : index
    %get3A_4 = vector.load %arg1[%get3A_2, %get3A_3] : memref<4000x128xf32, #tpu.memory_space<vmem>>, vector<4000x128xf32>
    %get3A_5 = arith.constant 0 : index
    %get3A_6 = arith.constant 0 : index
    %get3A_7 = vector.load %arg2[%get3A_5, %get3A_6] : memref<4000x128xf32, #tpu.memory_space<vmem>>, vector<4000x128xf32>
    %add3A = arith.addf %get3A_4, %get3A_7 : vector<4000x128xf32>
    %get3A_8 = arith.constant 0 : index
    %get3A_9 = arith.constant 0 : index
    %get3A_10 = vector.load %arg5[%get3A_8, %get3A_9] : memref<1x128xf32, #tpu.memory_space<vmem>>, vector<1x128xf32>
    %add3A_11 = vector.broadcast %get3A_10 : vector<1x128xf32> to vector<4000x128xf32>
    %add3A_12 = arith.addf %add3A, %add3A_11 : vector<4000x128xf32>
    %get3A_13 = arith.constant 0 : index
    %get3A_14 = arith.constant 0 : index
    %get3A_15 = vector.load %arg4[%get3A_13, %get3A_14] : memref<16x128xf32, #tpu.memory_space<vmem>>, vector<16x128xf32>
    %dot_general3A = arith.constant dense<0.000000e+00> : vector<4000x128xf32>
    %dot_general3A_16 = tpu.matmul %get3A_1, %get3A_15, %dot_general3A {dimension_numbers = #tpu.dot_dimension_numbers<[1], [0], [0], [1], [0, 0, 1, 1], [], []>, transpose_lhs_hint = false} : vector<4000x16xf32>, vector<16x128xf32>, vector<4000x128xf32> -> vector<4000x128xf32>
    %add3A_17 = arith.addf %add3A_12, %dot_general3A_16 : vector<4000x128xf32>
    %max3A = arith.constant 0.000000e+00 : f32
    %max3A_18 = vector.broadcast %max3A : f32 to vector<4000x128xf32>
    %max3A_19 = arith.maximumf %add3A_17, %max3A_18 : vector<4000x128xf32>
    %get3A_20 = arith.constant 0 : index
    %get3A_21 = arith.constant 0 : index
    %get3A_22 = vector.load %arg6[%get3A_20, %get3A_21] : memref<128x16xf32, #tpu.memory_space<vmem>>, vector<128x16xf32>
    %dot_general3A_23 = arith.constant dense<0.000000e+00> : vector<4000x16xf32>
    %dot_general3A_24 = tpu.matmul %max3A_19, %get3A_22, %dot_general3A_23 {dimension_numbers = #tpu.dot_dimension_numbers<[1], [0], [0], [1], [0, 0, 1, 1], [], []>, transpose_lhs_hint = false} : vector<4000x128xf32>, vector<128x16xf32>, vector<4000x16xf32> -> vector<4000x16xf32>
    %get3A_25 = arith.constant 0 : index
    %get3A_26 = arith.constant 0 : index
    %get3A_27 = vector.load %arg7[%get3A_25, %get3A_26] : memref<1x16xf32, #tpu.memory_space<vmem>>, vector<1x16xf32>
    %add3A_28 = vector.broadcast %get3A_27 : vector<1x16xf32> to vector<4000x16xf32>
    %add3A_29 = arith.addf %dot_general3A_24, %add3A_28 : vector<4000x16xf32>
    %reduce_sum3A = arith.constant dense<0.000000e+00> : vector<4000xf32>
    %reduce_sum3A_30 = vector.multi_reduction <add>, %add3A_29, %reduce_sum3A [1] : vector<4000x16xf32> to vector<4000xf32>
    %broadcast_in_dim3A = vector.shape_cast %reduce_sum3A_30 : vector<4000xf32> to vector<4000x1xf32>
    %div3A = arith.constant 1.600000e+01 : f32
    %div3A_31 = vector.broadcast %div3A : f32 to vector<4000x1xf32>
    %div3A_32 = arith.divf %broadcast_in_dim3A, %div3A_31 : vector<4000x1xf32>
    %sub3A = vector.broadcast %div3A_32 : vector<4000x1xf32> to vector<4000x16xf32>
    %sub3A_33 = arith.subf %add3A_29, %sub3A : vector<4000x16xf32>
    %integer_pow3A = arith.mulf %sub3A_33, %sub3A_33 : vector<4000x16xf32>
    %reduce_sum3A_34 = arith.constant dense<0.000000e+00> : vector<4000xf32>
    %reduce_sum3A_35 = vector.multi_reduction <add>, %integer_pow3A, %reduce_sum3A_34 [1] : vector<4000x16xf32> to vector<4000xf32>
    %broadcast_in_dim3A_36 = vector.shape_cast %reduce_sum3A_35 : vector<4000xf32> to vector<4000x1xf32>
    %div3A_37 = arith.constant 1.600000e+01 : f32
    %div3A_38 = vector.broadcast %div3A_37 : f32 to vector<4000x1xf32>
    %div3A_39 = arith.divf %broadcast_in_dim3A_36, %div3A_38 : vector<4000x1xf32>
    %sub3A_40 = vector.broadcast %div3A_32 : vector<4000x1xf32> to vector<4000x16xf32>
    %sub3A_41 = arith.subf %add3A_29, %sub3A_40 : vector<4000x16xf32>
    %add3A_42 = arith.constant 9.99999974E-6 : f32
    %add3A_43 = vector.broadcast %add3A_42 : f32 to vector<4000x1xf32>
    %add3A_44 = arith.addf %div3A_39, %add3A_43 : vector<4000x1xf32>
    %rsqrt3A = math.rsqrt %add3A_44 : vector<4000x1xf32>
    %mul3A = vector.broadcast %rsqrt3A : vector<4000x1xf32> to vector<4000x16xf32>
    %mul3A_45 = arith.mulf %sub3A_41, %mul3A : vector<4000x16xf32>
    %get3A_46 = arith.constant 0 : index
    %get3A_47 = arith.constant 0 : index
    %get3A_48 = vector.load %arg8[%get3A_46, %get3A_47] : memref<1x16xf32, #tpu.memory_space<vmem>>, vector<1x16xf32>
    %mul3A_49 = vector.broadcast %get3A_48 : vector<1x16xf32> to vector<4000x16xf32>
    %mul3A_50 = arith.mulf %mul3A_45, %mul3A_49 : vector<4000x16xf32>
    %get3A_51 = arith.constant 0 : index
    %get3A_52 = arith.constant 0 : index
    %get3A_53 = vector.load %arg9[%get3A_51, %get3A_52] : memref<1x16xf32, #tpu.memory_space<vmem>>, vector<1x16xf32>
    %add3A_54 = vector.broadcast %get3A_53 : vector<1x16xf32> to vector<4000x16xf32>
    %add3A_55 = arith.addf %mul3A_50, %add3A_54 : vector<4000x16xf32>
    %add3A_56 = arith.addf %get3A_1, %add3A_55 : vector<4000x16xf32>
    %swap3A = arith.constant 0 : index
    %swap3A_57 = arith.constant 0 : index
    %swap3A_58 = vector.load %arg10[%swap3A, %swap3A_57] : memref<4000x16xf32, #tpu.memory_space<vmem>>, vector<4000x16xf32>
    tpu.vector_store %arg10[%swap3A, %swap3A_57], %add3A_56 {strides = array<i32>} : memref<4000x16xf32, #tpu.memory_space<vmem>>, vector<4000x16xf32>,
    return
  }
  func.func @transform_0(%arg0: i32) -> (i32, i32) {
    %c0_i32 = arith.constant 0 : i32
    %c0_i32_0 = arith.constant 0 : i32
    return %arg0, %c0_i32 : i32, i32
  }
  func.func @transform_1(%arg0: i32) -> (i32, i32) {
    %c0_i32 = arith.constant 0 : i32
    %c0_i32_0 = arith.constant 0 : i32
    return %arg0, %c0_i32 : i32, i32
  }
  func.func @transform_2(%arg0: i32) -> (i32, i32) {
    %c0_i32 = arith.constant 0 : i32
    %c0_i32_0 = arith.constant 0 : i32
    return %arg0, %c0_i32 : i32, i32
  }
  func.func @transform_3(%arg0: i32) -> (i32, i32) {
    %c0_i32 = arith.constant 0 : i32
    %c0_i32_0 = arith.constant 0 : i32
    %c0_i32_1 = arith.constant 0 : i32
    return %c0_i32, %c0_i32_0 : i32, i32
  }
  func.func @transform_4(%arg0: i32) -> (i32, i32) {
    %c0_i32 = arith.constant 0 : i32
    %c0_i32_0 = arith.constant 0 : i32
    %c0_i32_1 = arith.constant 0 : i32
    return %c0_i32, %c0_i32_0 : i32, i32
  }
  func.func @transform_5(%arg0: i32) -> (i32, i32) {
    %c0_i32 = arith.constant 0 : i32
    %c0_i32_0 = arith.constant 0 : i32
    %c0_i32_1 = arith.constant 0 : i32
    return %c0_i32, %c0_i32_0 : i32, i32
  }
  func.func @transform_6(%arg0: i32) -> (i32, i32) {
    %c0_i32 = arith.constant 0 : i32
    %c0_i32_0 = arith.constant 0 : i32
    %c0_i32_1 = arith.constant 0 : i32
    return %c0_i32, %c0_i32_0 : i32, i32
  }
  func.func @transform_7(%arg0: i32) -> (i32, i32) {
    %c0_i32 = arith.constant 0 : i32
    %c0_i32_0 = arith.constant 0 : i32
    %c0_i32_1 = arith.constant 0 : i32
    return %c0_i32, %c0_i32_0 : i32, i32
  }
  func.func @transform_8(%arg0: i32) -> (i32, i32) {
    %c0_i32 = arith.constant 0 : i32
    %c0_i32_0 = arith.constant 0 : i32
    %c0_i32_1 = arith.constant 0 : i32
    return %c0_i32, %c0_i32_0 : i32, i32
  }
  func.func @transform_9(%arg0: i32) -> (i32, i32) {
    %c0_i32 = arith.constant 0 : i32
    %c0_i32_0 = arith.constant 0 : i32
    return %arg0, %c0_i32 : i32, i32
  }
}

module attributes {stable_mosaic.version = 14 : i64} {
  func.func @_node_body(%arg0: memref<10000x128xf32, #tpu.memory_space<vmem>>, %arg1: memref<2x10240x16xf32, #tpu.memory_space<vmem>>, %arg2: memref<128x128xf32, #tpu.memory_space<vmem>>, %arg3: memref<16x128xf32, #tpu.memory_space<vmem>>, %arg4: memref<1x128xf32, #tpu.memory_space<vmem>>, %arg5: memref<128x128xf32, #tpu.memory_space<vmem>>, %arg6: memref<1x128xf32, #tpu.memory_space<vmem>>, %arg7: memref<1x128xf32, #tpu.memory_space<vmem>>, %arg8: memref<1x128xf32, #tpu.memory_space<vmem>>, %arg9: memref<10000x128xf32, #tpu.memory_space<vmem>>) attributes {dimension_semantics = [], scalar_prefetch = 0 : i64, scratch_operands = 0 : i64, tpu.core_type = #tpu.core_type<tc>} {
    %get3A = arith.constant 0 : index
    %get3A_0 = arith.constant 0 : index
    %get3A_1 = vector.load %arg0[%get3A, %get3A_0] : memref<10000x128xf32, #tpu.memory_space<vmem>>, vector<10000x128xf32>
    %get3A_2 = arith.constant 0 : index
    %get3A_3 = arith.constant 0 : index
    %get3A_4 = arith.constant 0 : index
    %get3A_5 = vector.load %arg1[%get3A_2, %get3A_3, %get3A_4] : memref<2x10240x16xf32, #tpu.memory_space<vmem>>, vector<1x10240x16xf32>
    %get3A_6 = vector.shape_cast %get3A_5 : vector<1x10240x16xf32> to vector<10240x16xf32>
    %get3A_7 = arith.constant 1 : index
    %get3A_8 = arith.constant 0 : index
    %get3A_9 = arith.constant 0 : index
    %get3A_10 = vector.load %arg1[%get3A_7, %get3A_8, %get3A_9] : memref<2x10240x16xf32, #tpu.memory_space<vmem>>, vector<1x10240x16xf32>
    %get3A_11 = vector.shape_cast %get3A_10 : vector<1x10240x16xf32> to vector<10240x16xf32>
    %add3A = arith.addf %get3A_6, %get3A_11 : vector<10240x16xf32>
    %slice3A = vector.extract_strided_slice %add3A {offsets = [0, 0], sizes = [10000, 16], strides = [1, 1]} : vector<10240x16xf32> to vector<10000x16xf32>
    %get3A_12 = arith.constant 0 : index
    %get3A_13 = arith.constant 0 : index
    %get3A_14 = vector.load %arg2[%get3A_12, %get3A_13] : memref<128x128xf32, #tpu.memory_space<vmem>>, vector<128x128xf32>
    %dot_general3A = arith.constant dense<0.000000e+00> : vector<10000x128xf32>
    %dot_general3A_15 = tpu.matmul %get3A_1, %get3A_14, %dot_general3A {dimension_numbers = #tpu.dot_dimension_numbers<[1], [0], [0], [1], [0, 0, 1, 1], [], []>, transpose_lhs_hint = false} : vector<10000x128xf32>, vector<128x128xf32>, vector<10000x128xf32> -> vector<10000x128xf32>
    %get3A_16 = arith.constant 0 : index
    %get3A_17 = arith.constant 0 : index
    %get3A_18 = vector.load %arg3[%get3A_16, %get3A_17] : memref<16x128xf32, #tpu.memory_space<vmem>>, vector<16x128xf32>
    %dot_general3A_19 = arith.constant dense<0.000000e+00> : vector<10000x128xf32>
    %dot_general3A_20 = tpu.matmul %slice3A, %get3A_18, %dot_general3A_19 {dimension_numbers = #tpu.dot_dimension_numbers<[1], [0], [0], [1], [0, 0, 1, 1], [], []>, transpose_lhs_hint = false} : vector<10000x16xf32>, vector<16x128xf32>, vector<10000x128xf32> -> vector<10000x128xf32>
    %add3A_21 = arith.addf %dot_general3A_15, %dot_general3A_20 : vector<10000x128xf32>
    %get3A_22 = arith.constant 0 : index
    %get3A_23 = arith.constant 0 : index
    %get3A_24 = vector.load %arg4[%get3A_22, %get3A_23] : memref<1x128xf32, #tpu.memory_space<vmem>>, vector<1x128xf32>
    %add3A_25 = vector.broadcast %get3A_24 : vector<1x128xf32> to vector<10000x128xf32>
    %add3A_26 = arith.addf %add3A_21, %add3A_25 : vector<10000x128xf32>
    %max3A = arith.constant 0.000000e+00 : f32
    %max3A_27 = vector.broadcast %max3A : f32 to vector<10000x128xf32>
    %max3A_28 = arith.maximumf %add3A_26, %max3A_27 : vector<10000x128xf32>
    %get3A_29 = arith.constant 0 : index
    %get3A_30 = arith.constant 0 : index
    %get3A_31 = vector.load %arg5[%get3A_29, %get3A_30] : memref<128x128xf32, #tpu.memory_space<vmem>>, vector<128x128xf32>
    %dot_general3A_32 = arith.constant dense<0.000000e+00> : vector<10000x128xf32>
    %dot_general3A_33 = tpu.matmul %max3A_28, %get3A_31, %dot_general3A_32 {dimension_numbers = #tpu.dot_dimension_numbers<[1], [0], [0], [1], [0, 0, 1, 1], [], []>, transpose_lhs_hint = false} : vector<10000x128xf32>, vector<128x128xf32>, vector<10000x128xf32> -> vector<10000x128xf32>
    %get3A_34 = arith.constant 0 : index
    %get3A_35 = arith.constant 0 : index
    %get3A_36 = vector.load %arg6[%get3A_34, %get3A_35] : memref<1x128xf32, #tpu.memory_space<vmem>>, vector<1x128xf32>
    %add3A_37 = vector.broadcast %get3A_36 : vector<1x128xf32> to vector<10000x128xf32>
    %add3A_38 = arith.addf %dot_general3A_33, %add3A_37 : vector<10000x128xf32>
    %reduce_sum3A = arith.constant dense<0.000000e+00> : vector<10000xf32>
    %reduce_sum3A_39 = vector.multi_reduction <add>, %add3A_38, %reduce_sum3A [1] : vector<10000x128xf32> to vector<10000xf32>
    %broadcast_in_dim3A = vector.shape_cast %reduce_sum3A_39 : vector<10000xf32> to vector<10000x1xf32>
    %div3A = arith.constant 1.280000e+02 : f32
    %div3A_40 = vector.broadcast %div3A : f32 to vector<10000x1xf32>
    %div3A_41 = arith.divf %broadcast_in_dim3A, %div3A_40 : vector<10000x1xf32>
    %sub3A = vector.broadcast %div3A_41 : vector<10000x1xf32> to vector<10000x128xf32>
    %sub3A_42 = arith.subf %add3A_38, %sub3A : vector<10000x128xf32>
    %integer_pow3A = arith.mulf %sub3A_42, %sub3A_42 : vector<10000x128xf32>
    %reduce_sum3A_43 = arith.constant dense<0.000000e+00> : vector<10000xf32>
    %reduce_sum3A_44 = vector.multi_reduction <add>, %integer_pow3A, %reduce_sum3A_43 [1] : vector<10000x128xf32> to vector<10000xf32>
    %broadcast_in_dim3A_45 = vector.shape_cast %reduce_sum3A_44 : vector<10000xf32> to vector<10000x1xf32>
    %div3A_46 = arith.constant 1.280000e+02 : f32
    %div3A_47 = vector.broadcast %div3A_46 : f32 to vector<10000x1xf32>
    %div3A_48 = arith.divf %broadcast_in_dim3A_45, %div3A_47 : vector<10000x1xf32>
    %sub3A_49 = vector.broadcast %div3A_41 : vector<10000x1xf32> to vector<10000x128xf32>
    %sub3A_50 = arith.subf %add3A_38, %sub3A_49 : vector<10000x128xf32>
    %add3A_51 = arith.constant 9.99999974E-6 : f32
    %add3A_52 = vector.broadcast %add3A_51 : f32 to vector<10000x1xf32>
    %add3A_53 = arith.addf %div3A_48, %add3A_52 : vector<10000x1xf32>
    %rsqrt3A = math.rsqrt %add3A_53 : vector<10000x1xf32>
    %mul3A = vector.broadcast %rsqrt3A : vector<10000x1xf32> to vector<10000x128xf32>
    %mul3A_54 = arith.mulf %sub3A_50, %mul3A : vector<10000x128xf32>
    %get3A_55 = arith.constant 0 : index
    %get3A_56 = arith.constant 0 : index
    %get3A_57 = vector.load %arg7[%get3A_55, %get3A_56] : memref<1x128xf32, #tpu.memory_space<vmem>>, vector<1x128xf32>
    %mul3A_58 = vector.broadcast %get3A_57 : vector<1x128xf32> to vector<10000x128xf32>
    %mul3A_59 = arith.mulf %mul3A_54, %mul3A_58 : vector<10000x128xf32>
    %get3A_60 = arith.constant 0 : index
    %get3A_61 = arith.constant 0 : index
    %get3A_62 = vector.load %arg8[%get3A_60, %get3A_61] : memref<1x128xf32, #tpu.memory_space<vmem>>, vector<1x128xf32>
    %add3A_63 = vector.broadcast %get3A_62 : vector<1x128xf32> to vector<10000x128xf32>
    %add3A_64 = arith.addf %mul3A_59, %add3A_63 : vector<10000x128xf32>
    %add3A_65 = arith.addf %get3A_1, %add3A_64 : vector<10000x128xf32>
    %swap3A = arith.constant 0 : index
    %swap3A_66 = arith.constant 0 : index
    %swap3A_67 = vector.load %arg9[%swap3A, %swap3A_66] : memref<10000x128xf32, #tpu.memory_space<vmem>>, vector<10000x128xf32>
    tpu.vector_store %arg9[%swap3A, %swap3A_66], %add3A_65 {strides = array<i32>} : memref<10000x128xf32, #tpu.memory_space<vmem>>, vector<10000x128xf32>,
    return
  }
}

</mosaic_0001>

<sc_bundles>
// kernel: kernel.10.cloned.1.call-start
scs
__scs_entry_jumppad:
0x0: {  	(pc) =	sbr.rel $0x88, $3  }
0x1: {  	(tag) =	ssettag $0x0;
	lr =	simm.s32 $0x1  }
0x2: {  	[smem:$0x3F92] =	sst lr;
	_ =	strace $0xD0000000  }
0x3: {  	_ = 	snop  }
0x4: {  	_ = 	snop  }
0x5: {  	_ = 	snop  }
0x6: {  	_ = 	snop  }
0x7: {  	_ = 	snop  }
__scs_overlays_trampoline_lowered:
0x8: {  	[smem:$0x3FA1] =	sst s0  }
0x9: {  	[smem:$0x3FA2] =	sst s1  }
0xa: {  	[smem:$0x3FA3] =	sst s2  }
0xb: {  	[smem:$0x3FA4] =	sst s3  }
0xc: {  	[smem:$0x3FA5] =	sst s4  }
0xd: {  	[smem:$0x3FA6] =	sst s5  }
0xe: {  	[smem:$0x3FA7] =	sst s6  }
0xf: {  	[smem:$0x3FA8] =	sst s7  }
0x10: {  	[smem:$0x3FA9] =	sst s8  }
0x11: {  	[smem:$0x3FAA] =	sst s9;
	s0 =	simm.s32 @!p0 $0x0  }
0x12: {  	s1 =	sld [smem:$0x3F90];
	s0 =	simm.s32 @p0 $0x1  }
0x13: {  	[smem:$0x3FAB] =	sst s0;
	s0 =	simm.s32 @!p1 $0x0  }
0x14: {  	s2 =	sld [smem:$0x3F8F];
	s0 =	simm.s32 @p1 $0x1  }
0x15: {  	[smem:$0x3FAC] =	sst s0;
	s0 =	simm.s32 @!p2 $0x0  }
0x16: {  	s3 =	sld [smem:$0x3FDB];
	s0 =	simm.s32 @p2 $0x1  }
0x17: {  	s4 =	simm.s32 $0x1BF5;
	[smem:$0x3FAE] =	sst s0  }
0x18: {  	s0 =	sld [smem:$0x3F91];
	_ =	swait.ge [sflag:s4], $0x0  }
0x19: {  	s7 =	sld [smem:$0x3F92]  }
0x1a: {  	s8 =	sadd.s32 $0xFFFFE003, lr  }
0x1b: {  	s9 =	sadd.s32 $0xFFFFFEF7, lr;
	s5 =	simm.s32 $0xFFFFFFFF;
	p2 =	slt.u32 s8, $0xFFFFF086  }
0x1c: {  	p1 =	slt.u32 s9, $0xF7A;
	s5 =	simm.s32 @!p2 $0x0  }
0x1d: {  	s5 =	simm.s32 @p1 $0x1;
	p0 =	seq.s32 s7, s2  }
0x1e: {  	s7 =	smul.u32 @!p0 $0xF7A, s2;
	p2 =	seq.s32 @!p0 s5, $0x0  }
0x1f: {  	s9 =	smul.u32 $0xF7A, s1;
	s8 =	simm.s32 @!p0 $0x1BF5;
	p2 =	por !p2, p0  }
0x20: {  	[sflag:s8] =	ssyncset.s32 @!p0 $0xFFFFF086;
	s6 =	sadd.s32 @!p0 s3, s7;
	s7 =	simm.s32 @!p0 $0x108  }
0x21: {  	s3 =	sadd.s32 s3, s9;
	s6 =	sadd.s32 @!p0 $0x88, s6;
	s7 =	simm.s32 @p2 $0x1082  }
0x22: {  	[simem:s7], [sflag:s8] =	dma.local @!p0 [hbm:s6], $0xF7A  }
0x23: {  	s9 =	sor.u32 $0xD0000000, s2;
	s6 =	simm.s32 $0x108;
	_ =	swait.ge @!p0 [sflag:s8], $0x0  }
0x24: {  	s3 =	sadd.s32 $0x88, s3;
	s6 =	simm.s32 @!p1 $0x1082;
	[sflag:s4] =	ssyncset.s32 $0xFFFFF086  }
0x25: {  	[simem:s6], [sflag:s4] =	dma.local [hbm:s3], $0xF7A  }
0x26: {  	[smem:$0x3F92] =	sst s1;
	(tag) =	ssettag s2;
	_ =	strace s9  }
0x27: {  	s1 =	sld [smem:$0x3FA2]  }
0x28: {  	s2 =	sld [smem:$0x3FA3]  }
0x29: {  	s4 =	sld [smem:$0x3FA5]  }
0x2a: {  	p0 =	seq.s32 s5, $0x0;
	s5 =	sld [smem:$0x3FA6]  }
0x2b: {  	s6 =	sld [smem:$0x3FA7]  }
0x2c: {  	s7 =	sld [smem:$0x3FA8]  }
0x2d: {  	s3 =	simm.s32 $0x108;
	s8 =	sld [smem:$0x3FA9]  }
0x2e: {  	s3 =	simm.s32 @!p0 $0x1082;
	s9 =	sld [smem:$0x3FAA]  }
0x2f: {  	lr =	sadd.s32 s0, s3;
	s0 =	sld [smem:$0x3FA1]  }
0x30: {  	s3 =	sld [smem:$0x3FA4]  }
0x31: {  	[smem:$0x3FAD] =	sst s10  }
0x32: {  	s10 =	sld [smem:$0x3FAB];
	_ =	sdelay $0x3  }
0x33: {  	p0 =	seq.s32 s10, $0x1;
	s10 =	sld [smem:$0x3FAD];
	_ =	sdelay $0x3  }
0x34: {  	[smem:$0x3FAD] =	sst s10  }
0x35: {  	s10 =	sld [smem:$0x3FAC];
	_ =	sdelay $0x3  }
0x36: {  	p1 =	seq.s32 s10, $0x1;
	s10 =	sld [smem:$0x3FAD];
	_ =	sdelay $0x3  }
0x37: {  	[smem:$0x3FAD] =	sst s10  }
0x38: {  	s10 =	sld [smem:$0x3FAE]  }
0x39: {  	_ = 	snop;
	(pc) =	sbr.ind lr, $3  }
0x3a: {  	_ = 	snop  }
0x3b: {  	_ = 	snop  }
0x3c: {  	p2 =	seq.s32 s10, $0x1;
	s10 =	sld [smem:$0x3FAD]  }
0x3d: {  	_ =	shalt  }
0x3e: {  	_ =	shalt  }
0x3f: {  	_ =	shalt  }
0x40: {  	_ =	shalt  }
0x41: {  	_ =	shalt  }
0x42: {  	_ =	shalt  }
0x43: {  	_ =	shalt  }
0x44: {  	_ =	shalt  }
0x45: {  	_ =	shalt  }
0x46: {  	_ =	shalt  }
0x47: {  	_ =	shalt  }
0x48: {  	_ =	shalt  }
0x49: {  	_ =	shalt  }
0x4a: {  	_ =	shalt  }
0x4b: {  	_ =	shalt  }
0x4c: {  	_ =	shalt  }
0x4d: {  	_ =	shalt  }
0x4e: {  	_ =	shalt  }
0x4f: {  	_ =	shalt  }
0x50: {  	_ =	shalt  }
0x51: {  	_ =	shalt  }
0x52: {  	_ =	shalt  }
0x53: {  	_ =	shalt  }
0x54: {  	_ =	shalt  }
0x55: {  	_ =	shalt  }
0x56: {  	_ =	shalt  }
0x57: {  	_ =	shalt  }
0x58: {  	_ =	shalt  }
0x59: {  	_ =	shalt  }
0x5a: {  	_ =	shalt  }
0x5b: {  	_ =	shalt  }
0x5c: {  	_ =	shalt  }
0x5d: {  	_ =	shalt  }
0x5e: {  	_ =	shalt  }
0x5f: {  	_ =	shalt  }
0x60: {  	_ =	shalt  }
0x61: {  	_ =	shalt  }
0x62: {  	_ =	shalt  }
0x63: {  	_ =	shalt  }
0x64: {  	_ =	shalt  }
0x65: {  	_ =	shalt  }
0x66: {  	_ =	shalt  }
0x67: {  	_ =	shalt  }
0x68: {  	_ =	shalt  }
0x69: {  	_ =	shalt  }
0x6a: {  	_ =	shalt  }
0x6b: {  	_ =	shalt  }
0x6c: {  	_ =	shalt  }
0x6d: {  	_ =	shalt  }
0x6e: {  	_ =	shalt  }
0x6f: {  	_ =	shalt  }
0x70: {  	_ =	shalt  }
0x71: {  	_ =	shalt  }
0x72: {  	_ =	shalt  }
0x73: {  	_ =	shalt  }
0x74: {  	_ =	shalt  }
0x75: {  	_ =	shalt  }
0x76: {  	_ =	shalt  }
0x77: {  	_ =	shalt  }
0x78: {  	_ =	shalt  }
0x79: {  	_ =	shalt  }
0x7a: {  	_ =	shalt  }
0x7b: {  	_ =	shalt  }
0x7c: {  	_ =	shalt  }
0x7d: {  	_ =	shalt  }
0x7e: {  	_ =	shalt  }
0x7f: {  	_ =	shalt  }
0x80: {  	_ =	shalt  }
0x81: {  	_ =	shalt  }
0x82: {  	_ =	shalt  }
0x83: {  	_ =	shalt  }
0x84: {  	_ =	shalt  }
0x85: {  	_ =	shalt  }
0x86: {  	_ =	shalt  }
0x87: {  	_ =	shalt  }
.Lfunc_end0:
.L_simem_size_0:
called_computation.1_lowered:
.L_overlay_start_0:
0x88: {  	s2 =	sld [smem:$0x3FD9]  }
0x89: {  	s3 =	sld [smem:$0x3FFE];
	_ =	sdelay $0x1  }
0x8a: {  	s1 =	srdreg.scid  }
0x8b: {  	s0 =	sand.u32 $0x1, s1  }
0x8c: {  	s14 =	sshll.u32 s0, $0xA;
	s2 =	sadd.s32 s3, s2  }
0x8d: {  	s2 =	sadd.s32 s2, s14  }
0x8e: {  	[smem:$0x3FB9] =	sst s2  }
0x8f: {  	_ = 	snop  }
0x90: {  	s2 =	sld [smem:$0x3FD0];
	_ =	sdelay $0x2  }
0x91: {  	s15 =	simm.s32 $0xA;
	s4 =	simm.s32 $0x10  }
0x92: {  	[smem:s4], [sflag:s15] =	dma.local [hbm:s2], $0x1  }
0x93: {  	_ =	swait.eq [sflag:s15], $0x1  }
0x94: {  	[sflag:s15] =	ssyncset.done $0x0  }
0x95: {  	[sflag:s15] =	ssyncadd.s32 $0xFFFFFFFF  }
0x96: {  	s16 =	sld [smem:$0x10];
	(tm) =	ssettm $0x1  }
0x97: {  	s17 =	sld [smem:$0x3FFB];
	_ =	sdelay $0x3  }
0x98: {  	_ =	strace s17  }
0x99: {  	s3 =	sld [smem:$0x3FFC];
	_ =	sdelay $0x3  }
0x9a: {  	_ =	strace s3  }
0x9b: {  	s3 =	sld [smem:$0x3FFD];
	_ =	sdelay $0x3  }
0x9c: {  	_ =	strace s3  }
0x9d: {  	_ =	strace $0x8FFFFFFF  }
0x9e: {  	s18 =	sld [smem:$0x3FDB];
	_ =	sdelay $0x1  }
0x9f: {  	s19 =	simm.s32 $_scs_section_size  }
0xa0: {  	s5 =	simm.s32 $_size__tile_overlayer_lowered;
	s6 =	simm.s32 $_tile_overlayer_lowered  }
0xa1: {  	s22 =	simm.s32 $0x1BFF;
	s21 =	sshll.u32 s6, $0x1;
	s3 =	sadd.s32 s19, s18  }
0xa2: {  	s7 =	simm.s32 $0x0;
	s20 =	sshll.u32 s5, $0x1;
	s5 =	sadd.s32 s21, s3  }
0xa3: {  	[timem:s7], [sflag:s22] =	dma.local [hbm:s5], s20  }
0xa4: {  	_ =	swait.ge [sflag:s22], s20  }
0xa5: {  	s4 =	ssub.s32 $0x0, s20;
	[sflag:s22] =	ssyncset.done $0x0  }
0xa6: {  	[sflag:s22] =	ssyncadd.s32 s4;
	_ =	sdelay $0x1  }
0xa7: {  	s23 =	simm.s32 $0x1B8B  }
0xa8: {  	_ =	swait.ge [sflag:s23], $0x1  }
0xa9: {  	[sflag:s23] =	ssyncset.done $0x0  }
0xaa: {  	s25 =	simm.s32 $0x1B8E;
	s24 =	sld [smem:$0x3FFE];
	[sflag:s23] =	ssyncadd.s32 $0xFFFFFFFF  }
0xab: {  	s26 =	simm.s32 $execute0_lowered;
	[smem:$0x3FD2] =	sst s25  }
0xac: {  	s5 =	sshll.u32 s26, $0x1;
	_ =	strace $0x80000049;
	[dreg:$0x1] =	wrdreg $0xFFFFFFFF  }
0xad: {  	s28 =	simm.s32 $_size_execute0_lowered;
	s3 =	sadd.s32 s3, s5;
	[dreg:$0x0] =	wrdreg $0x0  }
0xae: {  	s5 =	sshll.u32 s28, $0x1;
	[dreg:$0x2] =	wrdreg s3  }
0xaf: {  	[dreg:$0x3] =	wrdreg s5  }
0xb0: {  	[dreg:$0x4] =	wrdreg $0xC0  }
0xb1: {  	_ =	task [dreg:s7], $0x5FFFF  }
0xb2: {  	[dreg:$0x1] =	wrdreg $0xFFFFFFFF  }
0xb3: {  	[dreg:$0x0] =	wrdreg $0x60  }
0xb4: {  	[dreg:$0x2] =	wrdreg s24  }
0xb5: {  	[dreg:$0x3] =	wrdreg s16  }
0xb6: {  	[dreg:$0x4] =	wrdreg $0x5500  }
0xb7: {  	[dreg:$0x5] =	wrdreg $0x9  }
0xb8: {  	_ =	task.clear_ibuf [dreg:s7], $0x6FFFF;
	_ =	strace $0x90000049  }
0xb9: {  	s29 =	simm.s32 $0x9;
	_ =	strace $0x8000004B  }
0xba: {  	_ =	swait.ge [sflag:s29], $0x1  }
0xbb: {  	[sflag:s29] =	ssyncadd.s32 $0xFFFFFFFF  }
0xbc: {  	_ =	strace $0x9000004B  }
0xbd: {  	_ =	sfence  }
0xbe: {  	s30 =	sld [smem:$0x0];
	_ =	sdelay $0x2  }
0xbf: {  	s31 =	sshll.u32 s1, $0xD;
	s1 =	sshrl.u32 s1, $0x2  }
0xc0: {  	s3 =	sand.u32 $0x4000, s31;
	s1 =	sadd.s32 s1, s30  }
0xc1: {  	s0 =	sor.u32 s3, s0;
	s1 =	sshll.u32 s1, $0x11  }
0xc2: {  	s0 =	sor.u32 s1, s0  }
0xc3: {  	s0 =	sadd.s32 $0x8F2B, s0  }
0xc4: {  	[sflag:s0] =	ssyncadd.remote.s32 $0x1  }
0xc5: {  	_ =	sfence.sel $0xFFFF  }
0xc6: {  	[dreg:$0x0] =	wrdreg $0xFFFFFFFF;
	(pc) =	sbr.abs _section_cstart, $3  }
0xc7: {  	[dreg:$0x1] =	wrdreg $0xFFFFFFFF  }
0xc8: {  	_ =	task.clear_ibuf [dreg:s7], $0x2FFFF;
	_ =	strace $0x9FFFFFFF  }
0xc9: {  	(tm) =	ssettm $0x7FFFFFFF  }
tec
execute0_lowered:
.L_overlay_start_1:
0x0: {  	(tag) =	ssettag $0x1  }
0x1: {  	s4 =	rddreg [dreg:$0x0]  }
0x2: {  	s6 =	rddreg [dreg:$0x1];
	s0 =	stileid.u32  }
0x3: {  	s1 =	srdreg.scid;
	s5 =	smul.u32 $0x2800, s0  }
0x4: {  	s2 =	rddreg [dreg:$0x2];
	s3 =	simm.s32 $0x0;
	s8 =	smul.u32 $0x4E20, s0  }
0x5: {  	s7 =	sand.u32 $0x1, s1;
	s1 =	rddreg [dreg:$0x3];
	s26 =	smul.u32 $0x9C40, s0  }
0x6: {  	[smem:$0x7FF] =	sst s3;
	s9 =	smul.u32 $0x2710, s7  }
0x7: {  	s14 =	sshll.u32 s0, $0x6;
	_ =	strace $0x8000004A;
	s13 =	smul.u32 $0x28000, s7  }
0x8: {  	s11 =	ssub.s32 $0x2, s7;
	s15 =	smul.u32 $0x4E20, s7;
	s10 =	sshrl.u32 s5, $0x3  }
0x9: {  	s28 =	sshrl.u32 s11, $0x1;
	s29 =	sadd.s32 s5, s2;
	s10 =	sadd.s32 s10, s4  }
0xa: {  	s8 =	sadd.s32 s9, s8;
	s9 =	sadd.s32 s26, s4;
	s13 =	sadd.s32 s5, s13  }
0xb: {  	s5 =	sor.u32 $0x1C01, s14;
	s8 =	sshrl.u32 s8, $0x3;
	s30 =	sshrl.u32 s13, $0x3  }
0xc: {  	s31 =	sadd.s32 s15, s9;
	s13 =	simm.s32 $0x0;
	s12 =	sadd.s32 s8, s4  }
0xd: {  	s8 =	ssub.s32 s11, s28;
	s4 =	sadd.s32 $0x4000, s10;
	s6 =	sadd.s32 s6, s30  }
0xe: {  	s10 =	sshrl.u32 s29, $0x3;
	s11 =	simm.s32 $0x1;
	s7 =	smax.u32 s8, $0x1  }
0xf: {  	s8 =	sadd.s32 $0x17C00, s31;
	s9 =	sadd.s32 $0xDE00, s12;
	s12 =	simm.s32 $0x50  }
.LBB2_1:
0x10: {  	[spmem:s10], [sflag:s5] =	dma.local [hbm:s4], $0x500  }
0x11: {  	_ =	swait.ge [sflag:s11], $0x500  }
0x12: {  	[sflag:s11] =	ssyncset.done $0x0  }
0x13: {  	[sflag:s11] =	ssyncadd.s32 $0xFFFFFB00  }
0x14: {  	s14 =	sadd.s32 $0x0, s9;
	[bflag:$0x0] =	sbarrier.arrive $0xFFFF  }
0x15: {  	[tilespmem:s3], [sflag:$0x1] =	stream.linear.gather [hbm4b:s14+s3], $0x50, $0x38;
	[tilespmem:$0x2D50] =	vst v63  }
0x16: {  	_ =	swait.ge [sflag:s11], $0x50  }
0x17: {  	[sflag:s11] =	ssyncset.done $0x0  }
0x18: {  	[sflag:s11] =	ssyncadd.s32 $0xFFFFFFB0  }
0x19: {  	[tilespmem:s12], [sflag:$0x1] =	stream.linear.gather [hbm4b:s8+s3], $0x500, $0x38;
	[tilespmem:$0x2D50] =	vst v63  }
0x1a: {  	_ =	swait.ge [sflag:s11], $0x500  }
0x1b: {  	[sflag:s11] =	ssyncset.done $0x0  }
0x1c: {  	[sflag:s11] =	ssyncadd.s32 $0xFFFFFB00  }
0x1d: {  	[spmem:s2] =	stream.indirect.scatter.add.f32 [tilespmem:s12], [sflag:$0x1], $0x10, s3, s12, $0xb8;
	[tilespmem:$0x2D50] =	vst v63  }
0x1e: {  	s15 =	simm.s32 $0xA;
	_ =	swait.ge [sflag:s11], $0x500  }
0x1f: {  	s16 =	simm.s32 $0x14;
	s14 =	sadd.s32 $0xA0, s8;
	[sflag:s11] =	ssyncset.done $0x0  }
.LBB2_2:
0x20: {  	s17 =	sadd.s32 s15, s9  }
0x21: {  	[sflag:s11] =	ssyncadd.s32 $0xFFFFFB00;
	s15 =	smov.u32 s16;
	s18 =	sadd.s32 $0xA, s16  }
0x22: {  	[tilespmem:s3], [sflag:$0x1] =	stream.linear.gather [hbm4b:s17+s3], $0x50, $0x38;
	[tilespmem:$0x2D50] =	vst v63  }
0x23: {  	p0 =	sne.s32 s16, $0x4D8;
	_ =	swait.ge [sflag:s11], $0x50  }
0x24: {  	[sflag:s11] =	ssyncset.done $0x0  }
0x25: {  	[sflag:s11] =	ssyncadd.s32 $0xFFFFFFB0  }
0x26: {  	[tilespmem:s12], [sflag:$0x1] =	stream.linear.gather [hbm4b:s14+s3], $0x500, $0x38;
	[tilespmem:$0x2D50] =	vst v63  }
0x27: {  	_ =	swait.ge [sflag:s11], $0x500  }
.Ltmp0:
0x28: {  	[sflag:s11] =	ssyncset.done $0x0;
	(pc) =	sbr.rel @p0 .LBB2_2-.Ltmp0, $4  }
0x29: {  	[sflag:s11] =	ssyncadd.s32 $0xFFFFFB00  }
0x2a: {  	[spmem:s2] =	stream.indirect.scatter.add.f32 [tilespmem:s12], [sflag:$0x1], $0x10, s3, s12, $0xb8;
	[tilespmem:$0x2D50] =	vst v63  }
0x2b: {  	_ =	swait.ge [sflag:s11], $0x500  }
0x2c: {  	s16 =	smov.u32 s18;
	s14 =	sadd.s32 $0xA0, s14;
	[sflag:s11] =	ssyncset.done $0x0  }
0x2d: {  	s15 =	sadd.s32 s15, s9;
	[sflag:s11] =	ssyncadd.s32 $0xFFFFFB00  }
0x2e: {  	[tilespmem:s3], [sflag:$0x1] =	stream.linear.gather [hbm4b:s15+s3], $0x50, $0x38;
	[tilespmem:$0x2D50] =	vst v63  }
0x2f: {  	_ =	swait.ge [sflag:s11], $0x50  }
0x30: {  	[sflag:s11] =	ssyncset.done $0x0  }
0x31: {  	[sflag:s11] =	ssyncadd.s32 $0xFFFFFFB0  }
0x32: {  	[tilespmem:s12], [sflag:$0x1] =	stream.linear.gather [hbm4b:s14+s3], $0x500, $0x38;
	[tilespmem:$0x2D50] =	vst v63  }
0x33: {  	_ =	swait.ge [sflag:s11], $0x500  }
0x34: {  	[sflag:s11] =	ssyncset.done $0x0  }
0x35: {  	[sflag:s11] =	ssyncadd.s32 $0xFFFFFB00  }
0x36: {  	[spmem:s2] =	stream.indirect.scatter.add.f32 [tilespmem:s12], [sflag:$0x1], $0x10, s3, s12, $0xb8;
	[tilespmem:$0x2D50] =	vst v63  }
0x37: {  	_ =	swait.ge [sflag:s11], $0x500  }
0x38: {  	s13 =	sadd.s32 $0x1, s13;
	[sflag:s11] =	ssyncset.done $0x0  }
0x39: {  	p0 =	sne.s32 s13, s7;
	[sflag:s11] =	ssyncadd.s32 $0xFFFFFB00  }
.Ltmp1:
0x3a: {  	[bflag:$0x0] =	sbarrier.arrive $0xFFFF;
	(pc) =	sbr.rel @p0 .LBB2_1-.Ltmp1, $4  }
0x3b: {  	[hbm:s6], [sflag:s5] =	dma.local [spmem:s10], $0x500  }
0x3c: {  	_ =	swait.ge [sflag:s11], $0x500  }
0x3d: {  	[sflag:s11] =	ssyncset.done $0x0  }
0x3e: {  	[sflag:s11] =	ssyncadd.s32 $0xFFFFFB00  }
0x3f: {  	_ =	sfence.sel $0x180000  }
0x40: {  	[bflag:$0x0] =	sbarrier.arrive $0xFFFF  }
0x41: {  	p0 =	sne.s32 s0, $0x0;
	_ =	strace $0x9000004A  }
0x42: {  	s0 =	sadd.s32 @!p0 $0x100000, s1;
	[bflag:$0x2] =	sbarrier.arrive $0xFFFF  }
0x43: {  	[sflag:s0] =	ssyncadd.tile.s32 @!p0 $0x1;
	_ =	shalt  }
.Lfunc_end2:
_tile_overlayer_lowered:
.L_overlay_start_2:
0x44: {  	(tag) =	ssettag $0x2  }
0x45: {  	s0 =	rddreg [dreg:$0x0];
	s2 =	stileid.u32  }
0x46: {  	s1 =	rddreg [dreg:$0x1];
	p0 =	sne.s32 s2, $0x0  }
0x47: {  	s3 =	rddreg [dreg:$0x2];
	[bflag:$0x3] =	sbarrier.arrive $0xFFFF;
	s2 =	simm.s32 @!p0 $0x1C01  }
0x48: {  	[timem:s3], [sflag:s2] =	dma.local @!p0 [hbm:s0], s1  }
0x49: {  	s0 =	simm.s32 @!p0 $0x1  }
0x4a: {  	_ =	swait.ge @!p0 [sflag:s0], s1  }
0x4b: {  	s1 =	ssub.s32 @!p0 $0x0, s1;
	[sflag:s0] =	ssyncset.done @!p0 $0x0  }
0x4c: {  	[sflag:s0] =	ssyncadd.s32 @!p0 s1  }
0x4d: {  	[bflag:$0x3] =	sbarrier.arrive $0xFFFF  }
0x4e: {  	_ =	shalt  }

// kernel: kernel.7.cloned.1.call-start
scs
__scs_entry_jumppad:
0x0: {  	(pc) =	sbr.rel $0x88, $3  }
0x1: {  	(tag) =	ssettag $0x0;
	lr =	simm.s32 $0x1  }
0x2: {  	[smem:$0x3F92] =	sst lr;
	_ =	strace $0xD0000000  }
0x3: {  	_ = 	snop  }
0x4: {  	_ = 	snop  }
0x5: {  	_ = 	snop  }
0x6: {  	_ = 	snop  }
0x7: {  	_ = 	snop  }
__scs_overlays_trampoline_lowered:
0x8: {  	[smem:$0x3FA1] =	sst s0  }
0x9: {  	[smem:$0x3FA2] =	sst s1  }
0xa: {  	[smem:$0x3FA3] =	sst s2  }
0xb: {  	[smem:$0x3FA4] =	sst s3  }
0xc: {  	[smem:$0x3FA5] =	sst s4  }
0xd: {  	[smem:$0x3FA6] =	sst s5  }
0xe: {  	[smem:$0x3FA7] =	sst s6  }
0xf: {  	[smem:$0x3FA8] =	sst s7  }
0x10: {  	[smem:$0x3FA9] =	sst s8  }
0x11: {  	[smem:$0x3FAA] =	sst s9;
	s0 =	simm.s32 @!p0 $0x0  }
0x12: {  	s1 =	sld [smem:$0x3F90];
	s0 =	simm.s32 @p0 $0x1  }
0x13: {  	[smem:$0x3FAB] =	sst s0;
	s0 =	simm.s32 @!p1 $0x0  }
0x14: {  	s2 =	sld [smem:$0x3F8F];
	s0 =	simm.s32 @p1 $0x1  }
0x15: {  	[smem:$0x3FAC] =	sst s0;
	s0 =	simm.s32 @!p2 $0x0  }
0x16: {  	s3 =	sld [smem:$0x3FDB];
	s0 =	simm.s32 @p2 $0x1  }
0x17: {  	s4 =	simm.s32 $0x1BF5;
	[smem:$0x3FAE] =	sst s0  }
0x18: {  	s0 =	sld [smem:$0x3F91];
	_ =	swait.ge [sflag:s4], $0x0  }
0x19: {  	s7 =	sld [smem:$0x3F92]  }
0x1a: {  	s8 =	sadd.s32 $0xFFFFE003, lr  }
0x1b: {  	s9 =	sadd.s32 $0xFFFFFEF7, lr;
	s5 =	simm.s32 $0xFFFFFFFF;
	p2 =	slt.u32 s8, $0xFFFFF086  }
0x1c: {  	p1 =	slt.u32 s9, $0xF7A;
	s5 =	simm.s32 @!p2 $0x0  }
0x1d: {  	s5 =	simm.s32 @p1 $0x1;
	p0 =	seq.s32 s7, s2  }
0x1e: {  	s7 =	smul.u32 @!p0 $0xF7A, s2;
	p2 =	seq.s32 @!p0 s5, $0x0  }
0x1f: {  	s9 =	smul.u32 $0xF7A, s1;
	s8 =	simm.s32 @!p0 $0x1BF5;
	p2 =	por !p2, p0  }
0x20: {  	[sflag:s8] =	ssyncset.s32 @!p0 $0xFFFFF086;
	s6 =	sadd.s32 @!p0 s3, s7;
	s7 =	simm.s32 @!p0 $0x108  }
0x21: {  	s3 =	sadd.s32 s3, s9;
	s6 =	sadd.s32 @!p0 $0x88, s6;
	s7 =	simm.s32 @p2 $0x1082  }
0x22: {  	[simem:s7], [sflag:s8] =	dma.local @!p0 [hbm:s6], $0xF7A  }
0x23: {  	s9 =	sor.u32 $0xD0000000, s2;
	s6 =	simm.s32 $0x108;
	_ =	swait.ge @!p0 [sflag:s8], $0x0  }
0x24: {  	s3 =	sadd.s32 $0x88, s3;
	s6 =	simm.s32 @!p1 $0x1082;
	[sflag:s4] =	ssyncset.s32 $0xFFFFF086  }
0x25: {  	[simem:s6], [sflag:s4] =	dma.local [hbm:s3], $0xF7A  }
0x26: {  	[smem:$0x3F92] =	sst s1;
	(tag) =	ssettag s2;
	_ =	strace s9  }
0x27: {  	s1 =	sld [smem:$0x3FA2]  }
0x28: {  	s2 =	sld [smem:$0x3FA3]  }
0x29: {  	s4 =	sld [smem:$0x3FA5]  }
0x2a: {  	p0 =	seq.s32 s5, $0x0;
	s5 =	sld [smem:$0x3FA6]  }
0x2b: {  	s6 =	sld [smem:$0x3FA7]  }
0x2c: {  	s7 =	sld [smem:$0x3FA8]  }
0x2d: {  	s3 =	simm.s32 $0x108;
	s8 =	sld [smem:$0x3FA9]  }
0x2e: {  	s3 =	simm.s32 @!p0 $0x1082;
	s9 =	sld [smem:$0x3FAA]  }
0x2f: {  	lr =	sadd.s32 s0, s3;
	s0 =	sld [smem:$0x3FA1]  }
0x30: {  	s3 =	sld [smem:$0x3FA4]  }
0x31: {  	[smem:$0x3FAD] =	sst s10  }
0x32: {  	s10 =	sld [smem:$0x3FAB];
	_ =	sdelay $0x3  }
0x33: {  	p0 =	seq.s32 s10, $0x1;
	s10 =	sld [smem:$0x3FAD];
	_ =	sdelay $0x3  }
0x34: {  	[smem:$0x3FAD] =	sst s10  }
0x35: {  	s10 =	sld [smem:$0x3FAC];
	_ =	sdelay $0x3  }
0x36: {  	p1 =	seq.s32 s10, $0x1;
	s10 =	sld [smem:$0x3FAD];
	_ =	sdelay $0x3  }
0x37: {  	[smem:$0x3FAD] =	sst s10  }
0x38: {  	s10 =	sld [smem:$0x3FAE]  }
0x39: {  	_ = 	snop;
	(pc) =	sbr.ind lr, $3  }
0x3a: {  	_ = 	snop  }
0x3b: {  	_ = 	snop  }
0x3c: {  	p2 =	seq.s32 s10, $0x1;
	s10 =	sld [smem:$0x3FAD]  }
0x3d: {  	_ =	shalt  }
0x3e: {  	_ =	shalt  }
0x3f: {  	_ =	shalt  }
0x40: {  	_ =	shalt  }
0x41: {  	_ =	shalt  }
0x42: {  	_ =	shalt  }
0x43: {  	_ =	shalt  }
0x44: {  	_ =	shalt  }
0x45: {  	_ =	shalt  }
0x46: {  	_ =	shalt  }
0x47: {  	_ =	shalt  }
0x48: {  	_ =	shalt  }
0x49: {  	_ =	shalt  }
0x4a: {  	_ =	shalt  }
0x4b: {  	_ =	shalt  }
0x4c: {  	_ =	shalt  }
0x4d: {  	_ =	shalt  }
0x4e: {  	_ =	shalt  }
0x4f: {  	_ =	shalt  }
0x50: {  	_ =	shalt  }
0x51: {  	_ =	shalt  }
0x52: {  	_ =	shalt  }
0x53: {  	_ =	shalt  }
0x54: {  	_ =	shalt  }
0x55: {  	_ =	shalt  }
0x56: {  	_ =	shalt  }
0x57: {  	_ =	shalt  }
0x58: {  	_ =	shalt  }
0x59: {  	_ =	shalt  }
0x5a: {  	_ =	shalt  }
0x5b: {  	_ =	shalt  }
0x5c: {  	_ =	shalt  }
0x5d: {  	_ =	shalt  }
0x5e: {  	_ =	shalt  }
0x5f: {  	_ =	shalt  }
0x60: {  	_ =	shalt  }
0x61: {  	_ =	shalt  }
0x62: {  	_ =	shalt  }
0x63: {  	_ =	shalt  }
0x64: {  	_ =	shalt  }
0x65: {  	_ =	shalt  }
0x66: {  	_ =	shalt  }
0x67: {  	_ =	shalt  }
0x68: {  	_ =	shalt  }
0x69: {  	_ =	shalt  }
0x6a: {  	_ =	shalt  }
0x6b: {  	_ =	shalt  }
0x6c: {  	_ =	shalt  }
0x6d: {  	_ =	shalt  }
0x6e: {  	_ =	shalt  }
0x6f: {  	_ =	shalt  }
0x70: {  	_ =	shalt  }
0x71: {  	_ =	shalt  }
0x72: {  	_ =	shalt  }
0x73: {  	_ =	shalt  }
0x74: {  	_ =	shalt  }
0x75: {  	_ =	shalt  }
0x76: {  	_ =	shalt  }
0x77: {  	_ =	shalt  }
0x78: {  	_ =	shalt  }
0x79: {  	_ =	shalt  }
0x7a: {  	_ =	shalt  }
0x7b: {  	_ =	shalt  }
0x7c: {  	_ =	shalt  }
0x7d: {  	_ =	shalt  }
0x7e: {  	_ =	shalt  }
0x7f: {  	_ =	shalt  }
0x80: {  	_ =	shalt  }
0x81: {  	_ =	shalt  }
0x82: {  	_ =	shalt  }
0x83: {  	_ =	shalt  }
0x84: {  	_ =	shalt  }
0x85: {  	_ =	shalt  }
0x86: {  	_ =	shalt  }
0x87: {  	_ =	shalt  }
.Lfunc_end0:
.L_simem_size_0:
called_computation_lowered:
.L_overlay_start_0:
0x88: {  	s2 =	sld [smem:$0x3FD9]  }
0x89: {  	s3 =	sld [smem:$0x3FFE];
	_ =	sdelay $0x1  }
0x8a: {  	s1 =	srdreg.scid  }
0x8b: {  	s0 =	sand.u32 $0x1, s1  }
0x8c: {  	s14 =	sshll.u32 s0, $0xA;
	s2 =	sadd.s32 s3, s2  }
0x8d: {  	s2 =	sadd.s32 s2, s14  }
0x8e: {  	[smem:$0x3FB9] =	sst s2  }
0x8f: {  	_ = 	snop  }
0x90: {  	s2 =	sld [smem:$0x3FD0];
	_ =	sdelay $0x2  }
0x91: {  	s15 =	simm.s32 $0xA;
	s4 =	simm.s32 $0x10  }
0x92: {  	[smem:s4], [sflag:s15] =	dma.local [hbm:s2], $0x1  }
0x93: {  	_ =	swait.eq [sflag:s15], $0x1  }
0x94: {  	[sflag:s15] =	ssyncset.done $0x0  }
0x95: {  	s16 =	sld [smem:$0x10];
	[sflag:s15] =	ssyncadd.s32 $0xFFFFFFFF  }
0x96: {  	s17 =	sld [smem:$0x11];
	(tm) =	ssettm $0x1  }
0x97: {  	s18 =	sld [smem:$0x3FFB];
	_ =	sdelay $0x3  }
0x98: {  	_ =	strace s18  }
0x99: {  	s4 =	sld [smem:$0x3FFC];
	_ =	sdelay $0x3  }
0x9a: {  	_ =	strace s4  }
0x9b: {  	s4 =	sld [smem:$0x3FFD];
	_ =	sdelay $0x3  }
0x9c: {  	_ =	strace s4  }
0x9d: {  	_ =	strace $0x8FFFFFFF  }
0x9e: {  	s19 =	sld [smem:$0x3FDB];
	_ =	sdelay $0x1  }
0x9f: {  	s5 =	simm.s32 $_scs_section_size  }
0xa0: {  	s6 =	simm.s32 $_size__tile_overlayer_lowered;
	s7 =	simm.s32 $_tile_overlayer_lowered  }
0xa1: {  	s22 =	simm.s32 $0x1BFF;
	s21 =	sshll.u32 s7, $0x1;
	s4 =	sadd.s32 s5, s19  }
0xa2: {  	s8 =	simm.s32 $0x0;
	s20 =	sshll.u32 s6, $0x1;
	s6 =	sadd.s32 s21, s4  }
0xa3: {  	[timem:s8], [sflag:s22] =	dma.local [hbm:s6], s20  }
0xa4: {  	_ =	swait.ge [sflag:s22], s20  }
0xa5: {  	s5 =	ssub.s32 $0x0, s20;
	[sflag:s22] =	ssyncset.done $0x0  }
0xa6: {  	[sflag:s22] =	ssyncadd.s32 s5;
	_ =	sdelay $0x1  }
0xa7: {  	s23 =	simm.s32 $0x1B8B  }
0xa8: {  	_ =	swait.ge [sflag:s23], $0x1  }
0xa9: {  	[sflag:s23] =	ssyncset.done $0x0  }
0xaa: {  	s25 =	simm.s32 $0x1B8E;
	s24 =	sld [smem:$0x3FFE];
	[sflag:s23] =	ssyncadd.s32 $0xFFFFFFFF  }
0xab: {  	s26 =	simm.s32 $execute0_lowered;
	[smem:$0x3FD2] =	sst s25  }
0xac: {  	s6 =	sshll.u32 s26, $0x1;
	_ =	strace $0x80000046;
	[dreg:$0x1] =	wrdreg $0xFFFFFFFF  }
0xad: {  	s28 =	simm.s32 $_size_execute0_lowered;
	s4 =	sadd.s32 s4, s6;
	[dreg:$0x0] =	wrdreg $0x0  }
0xae: {  	s6 =	sshll.u32 s28, $0x1;
	[dreg:$0x2] =	wrdreg s4  }
0xaf: {  	[dreg:$0x3] =	wrdreg s6  }
0xb0: {  	[dreg:$0x4] =	wrdreg $0xC0  }
0xb1: {  	_ =	task [dreg:s8], $0x5FFFF  }
0xb2: {  	[dreg:$0x1] =	wrdreg $0xFFFFFFFF  }
0xb3: {  	[dreg:$0x0] =	wrdreg $0x60  }
0xb4: {  	[dreg:$0x2] =	wrdreg s16  }
0xb5: {  	[dreg:$0x3] =	wrdreg s17  }
0xb6: {  	[dreg:$0x4] =	wrdreg s24  }
0xb7: {  	[dreg:$0x5] =	wrdreg $0x9  }
0xb8: {  	_ =	task.clear_ibuf [dreg:s8], $0x6FFFF;
	_ =	strace $0x90000046  }
0xb9: {  	s29 =	simm.s32 $0x9;
	_ =	strace $0x80000048  }
0xba: {  	_ =	swait.ge [sflag:s29], $0x1  }
0xbb: {  	[sflag:s29] =	ssyncadd.s32 $0xFFFFFFFF  }
0xbc: {  	_ =	strace $0x90000048  }
0xbd: {  	_ =	sfence  }
0xbe: {  	s30 =	sld [smem:$0x0];
	_ =	sdelay $0x2  }
0xbf: {  	s31 =	sshll.u32 s1, $0xD;
	s1 =	sshrl.u32 s1, $0x2  }
0xc0: {  	s3 =	sand.u32 $0x4000, s31;
	s1 =	sadd.s32 s1, s30  }
0xc1: {  	s0 =	sor.u32 s3, s0;
	s1 =	sshll.u32 s1, $0x11  }
0xc2: {  	s0 =	sor.u32 s1, s0  }
0xc3: {  	s0 =	sadd.s32 $0x8F2B, s0  }
0xc4: {  	[sflag:s0] =	ssyncadd.remote.s32 $0x1  }
0xc5: {  	_ =	sfence.sel $0xFFFF  }
0xc6: {  	[dreg:$0x0] =	wrdreg $0xFFFFFFFF;
	(pc) =	sbr.abs _section_cstart, $3  }
0xc7: {  	[dreg:$0x1] =	wrdreg $0xFFFFFFFF  }
0xc8: {  	_ =	task.clear_ibuf [dreg:s8], $0x2FFFF;
	_ =	strace $0x9FFFFFFF  }
0xc9: {  	(tm) =	ssettm $0x7FFFFFFF  }
tec
execute0_lowered:
.L_overlay_start_1:
0x0: {  	(tag) =	ssettag $0x1  }
0x1: {  	s1 =	rddreg [dreg:$0x0]  }
0x2: {  	s3 =	rddreg [dreg:$0x1]  }
0x3: {  	s7 =	rddreg [dreg:$0x2];
	s5 =	srdreg.scid  }
0x4: {  	s2 =	stileid.u32;
	s4 =	simm.s32 $0x0;
	s19 =	simm.s32 $0x2900  }
0x5: {  	s20 =	simm.s32 $0x1;
	s21 =	simm.s32 $0x2;
	s22 =	simm.s32 $0x3  }
0x6: {  	s23 =	simm.s32 $0x4;
	s24 =	simm.s32 $0x0;
	s14 =	smul.u32 $0x4E200, s2  }
0x7: {  	s10 =	sand.u32 $0x1, s5;
	s25 =	sshll.u32 s2, $0x1;
	s17 =	smul.u32 $0x4E20, s2  }
0x8: {  	[smem:$0x7FF] =	sst s4;
	s5 =	sadd.s32 $0x4000, s7;
	s16 =	smul.u32 $0x27100, s10  }
0x9: {  	s6 =	sadd.s32 $0xDE00, s7;
	s8 =	sor.u32 s10, s25;
	s18 =	smul.u32 $0x2710, s10  }
0xa: {  	s13 =	sadd.s32 $0x17C00, s7;
	s15 =	sadd.s32 $0x4F9C00, s7;
	s9 =	smul.u32 $0x2710, s8  }
0xb: {  	_ =	strace $0x80000047;
	s11 =	ssub.s32 $0x2, s10;
	s12 =	smul.u32 $0x27100, s8  }
0xc: {  	s26 =	sshrl.u32 s11, $0x1;
	s29 =	sadd.s32 s14, s13;
	s30 =	sadd.s32 s14, s15  }
0xd: {  	s28 =	ssub.s32 s11, s26;
	s31 =	sadd.s32 s18, s17;
	s17 =	simm.s32 $0x50  }
0xe: {  	s18 =	simm.s32 $0x100;
	s7 =	smax.u32 s28, $0x1;
	s9 =	sshrl.u32 s9, $0x3  }
0xf: {  	s10 =	sadd.s32 s13, s12;
	s11 =	sadd.s32 s15, s12;
	s12 =	sadd.s32 s16, s29  }
0x10: {  	s13 =	sadd.s32 s16, s30;
	s14 =	sadd.s32 $0x50, s31;
	s15 =	simm.s32 $0x5  }
0x11: {  	s16 =	simm.s32 $0x80;
	s8 =	sadd.s32 s5, s9;
	s9 =	sadd.s32 s6, s9  }
.LBB2_1:
0x12: {  	[tilespmem:s4], [sflag:$0x5] =	stream.linear.gather [hbm4b:s8+s4], $0x50, $0x38;
	[tilespmem:$0x5100] =	vst v63  }
0x13: {  	_ =	swait.ge [sflag:s15], $0x50  }
0x14: {  	[sflag:s15] =	ssyncset.done $0x0  }
0x15: {  	[sflag:s15] =	ssyncadd.s32 $0xFFFFFFB0  }
0x16: {  	[tilespmem:s16], [sflag:$0x5] =	stream.linear.gather [hbm4b:s9+s4], $0x50, $0x38;
	[tilespmem:$0x5100] =	vst v63  }
0x17: {  	_ =	swait.ge [sflag:s15], $0x50  }
0x18: {  	[sflag:s15] =	ssyncset.done $0x0  }
0x19: {  	[sflag:s15] =	ssyncadd.s32 $0xFFFFFFB0  }
0x1a: {  	[tilespmem:s18], [sflag:$0x1] =	stream.indirect.gather [hbm4b:s1+s17], $0x80, s4, s17, $0xb8;
	[tilespmem:$0x5100] =	vst v63  }
0x1b: {  	_ = 	snop  }
0x1c: {  	[tilespmem:s19], [sflag:$0x2] =	stream.indirect.gather [hbm4b:s3+s17], $0x80, s16, s17, $0xb8;
	[tilespmem:$0x5100] =	vst v63  }
0x1d: {  	_ =	swait.ge [sflag:s20], $0x2800  }
0x1e: {  	[sflag:s20] =	ssyncset.done $0x0  }
0x1f: {  	[sflag:s20] =	ssyncadd.s32 $0xFFFFD800  }
0x20: {  	_ =	swait.ge [sflag:s21], $0x2800  }
0x21: {  	[sflag:s21] =	ssyncset.done $0x0  }
0x22: {  	[sflag:s21] =	ssyncadd.s32 $0xFFFFD800  }
0x23: {  	[hbm4b:s10+s4] =	stream.linear.scatter [tilespmem:s18], [sflag:$0x3], $0x2800, $0x38;
	[tilespmem:$0x5100] =	vst v63  }
0x24: {  	s25 =	sshrl.u32 s14, $0x3  }
0x25: {  	[hbm4b:s11+s4] =	stream.linear.scatter [tilespmem:s19], [sflag:$0x4], $0x2800, $0x38;
	[tilespmem:$0x5100] =	vst v63  }
0x26: {  	s26 =	sadd.s32 s5, s25  }
0x27: {  	[tilespmem:s4], [sflag:$0x5] =	stream.linear.gather [hbm4b:s26+s4], $0x50, $0x38;
	[tilespmem:$0x5100] =	vst v63  }
0x28: {  	_ =	swait.ge [sflag:s15], $0x50  }
0x29: {  	[sflag:s15] =	ssyncset.done $0x0  }
0x2a: {  	s25 =	sadd.s32 s6, s25;
	[sflag:s15] =	ssyncadd.s32 $0xFFFFFFB0  }
0x2b: {  	[tilespmem:s16], [sflag:$0x5] =	stream.linear.gather [hbm4b:s25+s4], $0x50, $0x38;
	[tilespmem:$0x5100] =	vst v63  }
0x2c: {  	_ =	swait.ge [sflag:s15], $0x50  }
0x2d: {  	[sflag:s15] =	ssyncset.done $0x0  }
0x2e: {  	[sflag:s15] =	ssyncadd.s32 $0xFFFFFFB0  }
0x2f: {  	_ =	swait.ge [sflag:s22], $0x2800  }
0x30: {  	[sflag:s22] =	ssyncset.done $0x0  }
0x31: {  	[sflag:s22] =	ssyncadd.s32 $0xFFFFD800  }
0x32: {  	_ =	swait.ge [sflag:s23], $0x2800  }
0x33: {  	[sflag:s23] =	ssyncset.done $0x0  }
0x34: {  	[sflag:s23] =	ssyncadd.s32 $0xFFFFD800  }
0x35: {  	[tilespmem:s18], [sflag:$0x1] =	stream.indirect.gather [hbm4b:s1+s17], $0x80, s4, s17, $0xb8;
	[tilespmem:$0x5100] =	vst v63  }
0x36: {  	_ = 	snop  }
0x37: {  	[tilespmem:s19], [sflag:$0x2] =	stream.indirect.gather [hbm4b:s3+s17], $0x80, s16, s17, $0xb8;
	[tilespmem:$0x5100] =	vst v63  }
0x38: {  	_ =	swait.ge [sflag:s20], $0x2800  }
0x39: {  	[sflag:s20] =	ssyncset.done $0x0  }
0x3a: {  	s29 =	sadd.s32 $0x50, s14;
	[sflag:s20] =	ssyncadd.s32 $0xFFFFD800  }
0x3b: {  	s31 =	sadd.s32 $0x500, s12;
	s28 =	simm.s32 $0xF00;
	_ =	swait.ge [sflag:s21], $0x2800  }
0x3c: {  	s30 =	sadd.s32 $0x500, s13;
	s26 =	sshrl.u32 s29, $0x3;
	[sflag:s21] =	ssyncset.done $0x0  }
0x3d: {  	s29 =	sadd.s32 $0x50, s29;
	s25 =	simm.s32 $0xA00;
	[sflag:s21] =	ssyncadd.s32 $0xFFFFD800  }
0x3e: {  	[hbm4b:s31+s4] =	stream.linear.scatter [tilespmem:s18], [sflag:$0x3], $0x2800, $0x38;
	[tilespmem:$0x5100] =	vst v63  }
.LBB2_2:
0x3f: {  	[hbm4b:s30+s4] =	stream.linear.scatter [tilespmem:s19], [sflag:$0x4], $0x2800, $0x38;
	[tilespmem:$0x5100] =	vst v63  }
0x40: {  	s30 =	sshrl.u32 s29, $0x3;
	p0 =	sne.s32 s28, $0x26C00;
	s31 =	sadd.s32 s5, s26  }
0x41: {  	[tilespmem:s4], [sflag:$0x5] =	stream.linear.gather [hbm4b:s31+s4], $0x50, $0x38;
	[tilespmem:$0x5100] =	vst v63  }
0x42: {  	s31 =	smov.u32 s28;
	s28 =	sadd.s32 $0x500, s28;
	_ =	swait.ge [sflag:s15], $0x50  }
0x43: {  	[sflag:s15] =	ssyncset.done $0x0  }
0x44: {  	s0 =	sadd.s32 s6, s26;
	s26 =	smov.u32 s30;
	[sflag:s15] =	ssyncadd.s32 $0xFFFFFFB0  }
0x45: {  	[tilespmem:s16], [sflag:$0x5] =	stream.linear.gather [hbm4b:s0+s4], $0x50, $0x38;
	[tilespmem:$0x5100] =	vst v63  }
0x46: {  	_ =	swait.ge [sflag:s15], $0x50  }
0x47: {  	[sflag:s15] =	ssyncset.done $0x0  }
0x48: {  	[sflag:s15] =	ssyncadd.s32 $0xFFFFFFB0  }
0x49: {  	_ =	swait.ge [sflag:s22], $0x2800  }
0x4a: {  	[sflag:s22] =	ssyncset.done $0x0  }
0x4b: {  	[sflag:s22] =	ssyncadd.s32 $0xFFFFD800  }
0x4c: {  	_ =	swait.ge [sflag:s23], $0x2800  }
0x4d: {  	[sflag:s23] =	ssyncset.done $0x0  }
0x4e: {  	[sflag:s23] =	ssyncadd.s32 $0xFFFFD800  }
0x4f: {  	[tilespmem:s18], [sflag:$0x1] =	stream.indirect.gather [hbm4b:s1+s17], $0x80, s4, s17, $0xb8;
	[tilespmem:$0x5100] =	vst v63  }
0x50: {  	_ = 	snop  }
0x51: {  	[tilespmem:s19], [sflag:$0x2] =	stream.indirect.gather [hbm4b:s3+s17], $0x80, s16, s17, $0xb8;
	[tilespmem:$0x5100] =	vst v63  }
0x52: {  	_ =	swait.ge [sflag:s20], $0x2800  }
0x53: {  	[sflag:s20] =	ssyncset.done $0x0  }
0x54: {  	[sflag:s20] =	ssyncadd.s32 $0xFFFFD800  }
.Ltmp0:
0x55: {  	_ =	swait.ge [sflag:s21], $0x2800;
	(pc) =	sbr.rel @p0 .LBB2_2-.Ltmp0, $4  }
0x56: {  	[sflag:s21] =	ssyncset.done $0x0  }
0x57: {  	s0 =	sadd.s32 s25, s12;
	[sflag:s21] =	ssyncadd.s32 $0xFFFFD800  }
0x58: {  	[hbm4b:s0+s4] =	stream.linear.scatter [tilespmem:s18], [sflag:$0x3], $0x2800, $0x38;
	[tilespmem:$0x5100] =	vst v63  }
0x59: {  	s29 =	sadd.s32 $0x50, s29;
	s30 =	sadd.s32 s25, s13;
	s25 =	smov.u32 s31  }
0x5a: {  	[hbm4b:s30+s4] =	stream.linear.scatter [tilespmem:s19], [sflag:$0x4], $0x2800, $0x38;
	[tilespmem:$0x5100] =	vst v63  }
0x5b: {  	s0 =	sadd.s32 s5, s26  }
0x5c: {  	[tilespmem:s4], [sflag:$0x5] =	stream.linear.gather [hbm4b:s0+s4], $0x50, $0x38;
	[tilespmem:$0x5100] =	vst v63  }
0x5d: {  	_ =	swait.ge [sflag:s15], $0x50  }
0x5e: {  	[sflag:s15] =	ssyncset.done $0x0  }
0x5f: {  	s29 =	sadd.s32 s6, s26;
	[sflag:s15] =	ssyncadd.s32 $0xFFFFFFB0  }
0x60: {  	[tilespmem:s16], [sflag:$0x5] =	stream.linear.gather [hbm4b:s29+s4], $0x50, $0x38;
	[tilespmem:$0x5100] =	vst v63  }
0x61: {  	_ =	swait.ge [sflag:s15], $0x50  }
0x62: {  	[sflag:s15] =	ssyncset.done $0x0  }
0x63: {  	[sflag:s15] =	ssyncadd.s32 $0xFFFFFFB0  }
0x64: {  	_ =	swait.ge [sflag:s22], $0x2800  }
0x65: {  	[sflag:s22] =	ssyncset.done $0x0  }
0x66: {  	[sflag:s22] =	ssyncadd.s32 $0xFFFFD800  }
0x67: {  	_ =	swait.ge [sflag:s23], $0x2800  }
0x68: {  	[sflag:s23] =	ssyncset.done $0x0  }
0x69: {  	[sflag:s23] =	ssyncadd.s32 $0xFFFFD800  }
0x6a: {  	[tilespmem:s18], [sflag:$0x1] =	stream.indirect.gather [hbm4b:s1+s17], $0x80, s4, s17, $0xb8;
	[tilespmem:$0x5100] =	vst v63  }
0x6b: {  	_ = 	snop  }
0x6c: {  	[tilespmem:s19], [sflag:$0x2] =	stream.indirect.gather [hbm4b:s3+s17], $0x80, s16, s17, $0xb8;
	[tilespmem:$0x5100] =	vst v63  }
0x6d: {  	_ =	swait.ge [sflag:s20], $0x2800  }
0x6e: {  	[sflag:s20] =	ssyncset.done $0x0  }
0x6f: {  	[sflag:s20] =	ssyncadd.s32 $0xFFFFD800  }
0x70: {  	_ =	swait.ge [sflag:s21], $0x2800  }
0x71: {  	[sflag:s21] =	ssyncset.done $0x0  }
0x72: {  	s30 =	sadd.s32 s25, s12;
	[sflag:s21] =	ssyncadd.s32 $0xFFFFD800  }
0x73: {  	[hbm4b:s30+s4] =	stream.linear.scatter [tilespmem:s18], [sflag:$0x3], $0x2800, $0x38;
	[tilespmem:$0x5100] =	vst v63  }
0x74: {  	s31 =	sadd.s32 s25, s13;
	s24 =	sadd.s32 $0x1, s24  }
0x75: {  	[hbm4b:s31+s4] =	stream.linear.scatter [tilespmem:s19], [sflag:$0x4], $0x2800, $0x38;
	[tilespmem:$0x5100] =	vst v63  }
0x76: {  	p0 =	sne.s32 s24, s7;
	_ =	swait.ge [sflag:s22], $0x2800  }
.Ltmp1:
0x77: {  	[sflag:s22] =	ssyncset.done $0x0;
	(pc) =	sbr.rel @p0 .LBB2_1-.Ltmp1, $4  }
0x78: {  	[sflag:s22] =	ssyncadd.s32 $0xFFFFD800  }
0x79: {  	_ =	swait.ge [sflag:s23], $0x2800  }
0x7a: {  	[sflag:s23] =	ssyncset.done $0x0  }
0x7b: {  	[sflag:s23] =	ssyncadd.s32 $0xFFFFD800  }
0x7c: {  	_ =	sfence.sel $0x180000  }
0x7d: {  	[bflag:$0x0] =	sbarrier.arrive $0xFFFF  }
0x7e: {  	_ =	strace $0x90000047  }
0x7f: {  	[bflag:$0x2] =	sbarrier.arrive $0xFFFF  }
0x80: {  	p0 =	sne.s32 s2, $0x0;
	s0 =	rddreg [dreg:$0x3]  }
0x81: {  	s0 =	sadd.s32 @!p0 $0x100000, s0  }
0x82: {  	[sflag:s0] =	ssyncadd.tile.s32 @!p0 $0x1;
	_ =	shalt  }
.Lfunc_end2:
_tile_overlayer_lowered:
.L_overlay_start_2:
0x83: {  	(tag) =	ssettag $0x2  }
0x84: {  	s0 =	rddreg [dreg:$0x0];
	s2 =	stileid.u32  }
0x85: {  	s1 =	rddreg [dreg:$0x1];
	p0 =	sne.s32 s2, $0x0  }
0x86: {  	s3 =	rddreg [dreg:$0x2];
	[bflag:$0x3] =	sbarrier.arrive $0xFFFF;
	s2 =	simm.s32 @!p0 $0x1C05  }
0x87: {  	[timem:s3], [sflag:s2] =	dma.local @!p0 [hbm:s0], s1  }
0x88: {  	s0 =	simm.s32 @!p0 $0x5  }
0x89: {  	_ =	swait.ge @!p0 [sflag:s0], s1  }
0x8a: {  	s1 =	ssub.s32 @!p0 $0x0, s1;
	[sflag:s0] =	ssyncset.done @!p0 $0x0  }
0x8b: {  	[sflag:s0] =	ssyncadd.s32 @!p0 s1  }
0x8c: {  	[bflag:$0x3] =	sbarrier.arrive $0xFFFF  }
0x8d: {  	_ =	shalt  }

</sc_bundles>
